<compile_context>
chip_gen: v7x
topology: tpu7x:2x2x1
jax: 0.10.2.dev20260603
libtpu: 0.0.44.dev20260713+nightly
codegen_flags: <defaults>
</compile_context>

<pallas_src>
import jax
import jax.numpy as jnp
from jax.experimental import pallas as pl

_D = 256
_K = 1024
_HOPS = 8
_BLK = 512


def _mm(a, b_t):
    return jax.lax.dot_general(
        a, b_t, (((1,), (1,)), ((), ())),
        preferred_element_type=jnp.float32)


def _rulernn_body(q_ref, rw_ref, eos_ref, wih_ref, whh_ref,
                  bih_ref, bhh_ref, out_ref):
    f32 = jnp.float32
    rw = rw_ref[...]
    wih = wih_ref[...]
    whh = whh_ref[...]
    bih = bih_ref[...]
    bhh = bhh_ref[...]

    wsq = jnp.sum(rw * rw, axis=1, keepdims=True).reshape(1, _K)
    rw_m2 = rw * -2.0

    def gru(gi, gh, h):
        r = jax.nn.sigmoid(gi[:, :_D] + gh[:, :_D])
        z = jax.nn.sigmoid(gi[:, _D:2 * _D] + gh[:, _D:2 * _D])
        n = jnp.tanh(gi[:, 2 * _D:] + r * gh[:, 2 * _D:])
        return (1.0 - z) * n + z * h

    gi2 = _mm(eos_ref[...], wih) + bih

    half = q_ref.shape[0] // 2
    iota_k = jax.lax.broadcasted_iota(jnp.int32, (half, _K), 1)

    def enc(q):
        gi = _mm(q, wih) + bih
        r = jax.nn.sigmoid(gi[:, :_D] + bhh[:, :_D])
        z = jax.nn.sigmoid(gi[:, _D:2 * _D] + bhh[:, _D:2 * _D])
        n = jnp.tanh(gi[:, 2 * _D:] + r * bhh[:, 2 * _D:])
        h = (1.0 - z) * n
        return gru(gi2, _mm(h, whh) + bhh, h)

    def select(h):
        hsq = jnp.sum(h * h, axis=1, keepdims=True)
        dist = hsq + _mm(h, rw_m2) + wsq
        s = jnp.sqrt(jnp.maximum(dist, 1e-12))
        m = jnp.min(s, axis=1, keepdims=True)
        idx = jnp.min(jnp.where(s == m, iota_k, _K), axis=1, keepdims=True)
        onehot = (iota_k == idx).astype(f32)
        sg = jnp.dot(onehot, rw, preferred_element_type=f32)
        return sg

    def update(h, sg):
        gi = _mm(sg, wih) + bih
        gh = _mm(h, whh) + bhh
        return gru(gi, gh, h)

    hs = [enc(q_ref[c * half:(c + 1) * half, :]) for c in range(2)]
    for hop in range(_HOPS):
        picks = [select(h) for h in hs]
        for c, sg in enumerate(picks):
            out_ref[c * half:(c + 1) * half, hop * _D:(hop + 1) * _D] = sg
        hs = [update(h, sg) for h, sg in zip(hs, picks)]


def kernel(query, relation_weight, eos_weight, w_ih, w_hh, b_ih, b_hh):
    B, d = query.shape
    subgoals = pl.pallas_call(
        _rulernn_body,
        grid=(B // _BLK,),
        in_specs=[
            pl.BlockSpec((_BLK, d), lambda i: (i, 0)),
            pl.BlockSpec((_K, d), lambda i: (0, 0)),
            pl.BlockSpec((1, d), lambda i: (0, 0)),
            pl.BlockSpec((3 * d, d), lambda i: (0, 0)),
            pl.BlockSpec((3 * d, d), lambda i: (0, 0)),
            pl.BlockSpec((1, 3 * d), lambda i: (0, 0)),
            pl.BlockSpec((1, 3 * d), lambda i: (0, 0)),
        ],
        out_specs=pl.BlockSpec((_BLK, _HOPS * d), lambda i: (i, 0)),
        out_shape=jax.ShapeDtypeStruct((B, _HOPS * d), jnp.float32),
    )(query, relation_weight, eos_weight, w_ih, w_hh,
      b_ih.reshape(1, -1), b_hh.reshape(1, -1))
    masks = jnp.ones((B, _HOPS), dtype=bool)
    return subgoals.reshape(B, _HOPS, d), masks

# --- scband reference (transcript-rebuilt; emitter-appended) ---
"""Pipeline reference for scband-rule-rnn-11003706213182 (READ-ONLY COPY).

The authoritative reference and input builder live on the scoring server;
editing this copy changes nothing except your own understanding.
"""

import jax, jax.numpy as jnp
import numpy as np

INPUT_DIM = 256
NUM_RELATION = 512
NUM_HOP = 8
B = 8192


def setup_inputs(seed: int = 0):
    key = jax.random.key(seed)
    ks = jax.random.split(key, 8)
    d = INPUT_DIM
    query = jax.random.normal(ks[0], (B, d), dtype=jnp.float32)
    relation_weight = jax.random.normal(ks[1], (NUM_RELATION * 2, d), dtype=jnp.float32) * 0.1
    eos_weight = jax.random.normal(ks[2], (1, d), dtype=jnp.float32) * 0.1
    s = 1.0 / np.sqrt(d)
    w_ih = jax.random.uniform(ks[3], (3 * d, d), minval=-s, maxval=s, dtype=jnp.float32)
    w_hh = jax.random.uniform(ks[4], (3 * d, d), minval=-s, maxval=s, dtype=jnp.float32)
    b_ih = jax.random.uniform(ks[5], (3 * d,), minval=-s, maxval=s, dtype=jnp.float32)
    b_hh = jax.random.uniform(ks[6], (3 * d,), minval=-s, maxval=s, dtype=jnp.float32)
    return {"query": query, "relation_weight": relation_weight, "eos_weight": eos_weight,
            "w_ih": w_ih, "w_hh": w_hh, "b_ih": b_ih, "b_hh": b_hh}


def gru_cell(x, h, w_ih, w_hh, b_ih, b_hh):
    # PyTorch nn.GRU cell equations (single layer)
    gi = x @ w_ih.T + b_ih
    gh = h @ w_hh.T + b_hh
    i_r, i_z, i_n = jnp.split(gi, 3, axis=-1)
    h_r, h_z, h_n = jnp.split(gh, 3, axis=-1)
    r = jax.nn.sigmoid(i_r + h_r)
    z = jax.nn.sigmoid(i_z + h_z)
    n = jnp.tanh(i_n + r * h_n)
    return (1.0 - z) * n + z * h


def reference(query, relation_weight, eos_weight, w_ih, w_hh, b_ih, b_hh):
    Bq, d = query.shape
    K = relation_weight.shape[0]
    eos = jnp.broadcast_to(eos_weight, (Bq, d))
    # GRU over the 2-step sequence [query, eos], h0 = 0
    h = jnp.zeros((Bq, d), dtype=query.dtype)
    h = gru_cell(query, h, w_ih, w_hh, b_ih, b_hh)
    h = gru_cell(eos, h, w_ih, w_hh, b_ih, b_hh)
    hidden = h  # hidden[1:] squeezed; also equals hx for single layer
    w_sq = jnp.sum(relation_weight * relation_weight, axis=-1)
    subgoals = []
    for _ in range(NUM_HOP):
        # score = -||hidden - relation||_2 (vector_quantization branch)
        h_sq = jnp.sum(hidden * hidden, axis=-1, keepdims=True)
        dist_sq = h_sq - 2.0 * (hidden @ relation_weight.T) + w_sq[None, :]
        score = -jnp.sqrt(jnp.maximum(dist_sq, 1e-12))
        # hard one-hot attention at argmax (scatter of 1 into zeros)
        idx = jnp.argmax(score, axis=-1)
        attention = jax.nn.one_hot(idx, K, dtype=hidden.dtype)
        # subgoal = attention @ relation.weight (codebook lookup)
        subgoal = attention @ relation_weight
        subgoals.append(subgoal)
        hidden = gru_cell(subgoal, hidden, w_ih, w_hh, b_ih, b_hh)
    subgoals = jnp.stack(subgoals, axis=-2)  # [B, num_hop, d]
    masks = jnp.ones(subgoals.shape[:-1], dtype=bool)
    return subgoals, masks

if __name__ == "__main__":
    import jax
    _d = setup_inputs()
    print(jax.jit(kernel)(*tuple(_d.values())))

</pallas_src>

<mosaic_0001>
module attributes {stable_mosaic.version = 14 : i64} {
  func.func @_rulernn_body(%arg0: i32, %arg1: memref<512x256xf32, #tpu.memory_space<vmem>>, %arg2: memref<1024x256xf32, #tpu.memory_space<vmem>>, %arg3: memref<1x256xf32, #tpu.memory_space<vmem>>, %arg4: memref<768x256xf32, #tpu.memory_space<vmem>>, %arg5: memref<768x256xf32, #tpu.memory_space<vmem>>, %arg6: memref<1x768xf32, #tpu.memory_space<vmem>>, %arg7: memref<1x768xf32, #tpu.memory_space<vmem>>, %arg8: memref<512x2048xf32, #tpu.memory_space<vmem>>) attributes {dimension_semantics = [#tpu.dimension_semantics<arbitrary>], iteration_bounds = array<i64: 16>, scalar_prefetch = 0 : i64, scratch_operands = 0 : i64, tpu.core_type = #tpu.core_type<tc>, window_params = [{transform_indices = @transform_0, window_bounds = array<i64: 512, 256>}, {pipeline_mode = #tpu.pipeline_mode<synchronous>, transform_indices = @transform_1, window_bounds = array<i64: 1024, 256>}, {pipeline_mode = #tpu.pipeline_mode<synchronous>, transform_indices = @transform_2, window_bounds = array<i64: 1, 256>}, {pipeline_mode = #tpu.pipeline_mode<synchronous>, transform_indices = @transform_3, window_bounds = array<i64: 768, 256>}, {pipeline_mode = #tpu.pipeline_mode<synchronous>, transform_indices = @transform_4, window_bounds = array<i64: 768, 256>}, {pipeline_mode = #tpu.pipeline_mode<synchronous>, transform_indices = @transform_5, window_bounds = array<i64: 1, 768>}, {pipeline_mode = #tpu.pipeline_mode<synchronous>, transform_indices = @transform_6, window_bounds = array<i64: 1, 768>}, {transform_indices = @transform_7, window_bounds = array<i64: 512, 2048>}]} {
    %get3A = arith.constant 0 : index
    %get3A_0 = arith.constant 0 : index
    %get3A_1 = vector.load %arg2[%get3A, %get3A_0] : memref<1024x256xf32, #tpu.memory_space<vmem>>, vector<1024x256xf32>
    %get3A_2 = arith.constant 0 : index
    %get3A_3 = arith.constant 0 : index
    %get3A_4 = vector.load %arg4[%get3A_2, %get3A_3] : memref<768x256xf32, #tpu.memory_space<vmem>>, vector<768x256xf32>
    %get3A_5 = arith.constant 0 : index
    %get3A_6 = arith.constant 0 : index
    %get3A_7 = vector.load %arg5[%get3A_5, %get3A_6] : memref<768x256xf32, #tpu.memory_space<vmem>>, vector<768x256xf32>
    %get3A_8 = arith.constant 0 : index
    %get3A_9 = arith.constant 0 : index
    %get3A_10 = vector.load %arg6[%get3A_8, %get3A_9] : memref<1x768xf32, #tpu.memory_space<vmem>>, vector<1x768xf32>
    %get3A_11 = arith.constant 0 : index
    %get3A_12 = arith.constant 0 : index
    %get3A_13 = vector.load %arg7[%get3A_11, %get3A_12] : memref<1x768xf32, #tpu.memory_space<vmem>>, vector<1x768xf32>
    %mul3A = arith.mulf %get3A_1, %get3A_1 : vector<1024x256xf32>
    %reduce_sum3A = arith.constant dense<0.000000e+00> : vector<1024xf32>
    %reduce_sum3A_14 = vector.multi_reduction <add>, %mul3A, %reduce_sum3A [1] : vector<1024x256xf32> to vector<1024xf32>
    %broadcast_in_dim3A = vector.shape_cast %reduce_sum3A_14 : vector<1024xf32> to vector<1024x1xf32>
    %reshape3A = vector.shape_cast %broadcast_in_dim3A : vector<1024x1xf32> to vector<1x1024xf32>
    %mul3A_15 = arith.constant -2.000000e+00 : f32
    %mul3A_16 = vector.broadcast %mul3A_15 : f32 to vector<1024x256xf32>
    %mul3A_17 = arith.mulf %get3A_1, %mul3A_16 : vector<1024x256xf32>
    %get3A_18 = arith.constant 0 : index
    %get3A_19 = arith.constant 0 : index
    %get3A_20 = vector.load %arg3[%get3A_18, %get3A_19] : memref<1x256xf32, #tpu.memory_space<vmem>>, vector<1x256xf32>
    %dot_general3A = arith.constant dense<0.000000e+00> : vector<1x768xf32>
    %dot_general3A_21 = tpu.matmul %get3A_20, %get3A_4, %dot_general3A {dimension_numbers = #tpu.dot_dimension_numbers<[1], [1], [0], [0], [0, 0, 1, 0], [], []>, transpose_lhs_hint = false} : vector<1x256xf32>, vector<768x256xf32>, vector<1x768xf32> -> vector<1x768xf32>
    %add3A = arith.addf %dot_general3A_21, %get3A_10 : vector<1x768xf32>
    %iota3A = tpu.iota {dimensions = array<i32: 1>} : vector<256x1024xi32>
    %get3A_22 = arith.constant 0 : index
    %get3A_23 = arith.constant 0 : index
    %get3A_24 = vector.load %arg1[%get3A_22, %get3A_23] : memref<512x256xf32, #tpu.memory_space<vmem>>, vector<256x256xf32>
    %dot_general3A_25 = arith.constant dense<0.000000e+00> : vector<256x768xf32>
    %dot_general3A_26 = tpu.matmul %get3A_24, %get3A_4, %dot_general3A_25 {dimension_numbers = #tpu.dot_dimension_numbers<[1], [1], [0], [0], [0, 0, 1, 0], [], []>, transpose_lhs_hint = false} : vector<256x256xf32>, vector<768x256xf32>, vector<256x768xf32> -> vector<256x768xf32>
    %add3A_27 = vector.broadcast %get3A_10 : vector<1x768xf32> to vector<256x768xf32>
    %add3A_28 = arith.addf %dot_general3A_26, %add3A_27 : vector<256x768xf32>
    %slice3A = vector.extract_strided_slice %add3A_28 {offsets = [0, 0], sizes = [256, 256], strides = [1, 1]} : vector<256x768xf32> to vector<256x256xf32>
    %slice3A_29 = vector.extract_strided_slice %get3A_13 {offsets = [0, 0], sizes = [1, 256], strides = [1, 1]} : vector<1x768xf32> to vector<1x256xf32>
    %add3A_30 = vector.broadcast %slice3A_29 : vector<1x256xf32> to vector<256x256xf32>
    %add3A_31 = arith.addf %slice3A, %add3A_30 : vector<256x256xf32>
    %logistic3A = arith.negf %add3A_31 : vector<256x256xf32>
    %logistic3A_32 = math.exp %logistic3A : vector<256x256xf32>
    %logistic3A_33 = arith.constant 1.000000e+00 : f32
    %logistic3A_34 = vector.broadcast %logistic3A_33 : f32 to vector<256x256xf32>
    %logistic3A_35 = arith.addf %logistic3A_34, %logistic3A_32 : vector<256x256xf32>
    %logistic3A_36 = arith.divf %logistic3A_34, %logistic3A_35 : vector<256x256xf32>
    %slice3A_37 = vector.extract_strided_slice %add3A_28 {offsets = [0, 256], sizes = [256, 256], strides = [1, 1]} : vector<256x768xf32> to vector<256x256xf32>
    %slice3A_38 = vector.extract_strided_slice %get3A_13 {offsets = [0, 256], sizes = [1, 256], strides = [1, 1]} : vector<1x768xf32> to vector<1x256xf32>
    %add3A_39 = vector.broadcast %slice3A_38 : vector<1x256xf32> to vector<256x256xf32>
    %add3A_40 = arith.addf %slice3A_37, %add3A_39 : vector<256x256xf32>
    %logistic3A_41 = arith.negf %add3A_40 : vector<256x256xf32>
    %logistic3A_42 = math.exp %logistic3A_41 : vector<256x256xf32>
    %logistic3A_43 = arith.constant 1.000000e+00 : f32
    %logistic3A_44 = vector.broadcast %logistic3A_43 : f32 to vector<256x256xf32>
    %logistic3A_45 = arith.addf %logistic3A_44, %logistic3A_42 : vector<256x256xf32>
    %logistic3A_46 = arith.divf %logistic3A_44, %logistic3A_45 : vector<256x256xf32>
    %slice3A_47 = vector.extract_strided_slice %add3A_28 {offsets = [0, 512], sizes = [256, 256], strides = [1, 1]} : vector<256x768xf32> to vector<256x256xf32>
    %slice3A_48 = vector.extract_strided_slice %get3A_13 {offsets = [0, 512], sizes = [1, 256], strides = [1, 1]} : vector<1x768xf32> to vector<1x256xf32>
    %mul3A_49 = vector.broadcast %slice3A_48 : vector<1x256xf32> to vector<256x256xf32>
    %mul3A_50 = arith.mulf %logistic3A_36, %mul3A_49 : vector<256x256xf32>
    %add3A_51 = arith.addf %slice3A_47, %mul3A_50 : vector<256x256xf32>
    %tanh3A = math.tanh %add3A_51 : vector<256x256xf32>
    %sub3A = arith.constant 1.000000e+00 : f32
    %sub3A_52 = vector.broadcast %sub3A : f32 to vector<256x256xf32>
    %sub3A_53 = arith.subf %sub3A_52, %logistic3A_46 : vector<256x256xf32>
    %mul3A_54 = arith.mulf %sub3A_53, %tanh3A : vector<256x256xf32>
    %dot_general3A_55 = arith.constant dense<0.000000e+00> : vector<256x768xf32>
    %dot_general3A_56 = tpu.matmul %mul3A_54, %get3A_7, %dot_general3A_55 {dimension_numbers = #tpu.dot_dimension_numbers<[1], [1], [0], [0], [0, 0, 1, 0], [], []>, transpose_lhs_hint = false} : vector<256x256xf32>, vector<768x256xf32>, vector<256x768xf32> -> vector<256x768xf32>
    %add3A_57 = vector.broadcast %get3A_13 : vector<1x768xf32> to vector<256x768xf32>
    %add3A_58 = arith.addf %dot_general3A_56, %add3A_57 : vector<256x768xf32>
    %slice3A_59 = vector.extract_strided_slice %add3A {offsets = [0, 0], sizes = [1, 256], strides = [1, 1]} : vector<1x768xf32> to vector<1x256xf32>
    %slice3A_60 = vector.extract_strided_slice %add3A_58 {offsets = [0, 0], sizes = [256, 256], strides = [1, 1]} : vector<256x768xf32> to vector<256x256xf32>
    %add3A_61 = vector.broadcast %slice3A_59 : vector<1x256xf32> to vector<256x256xf32>
    %add3A_62 = arith.addf %add3A_61, %slice3A_60 : vector<256x256xf32>
    %logistic3A_63 = arith.negf %add3A_62 : vector<256x256xf32>
    %logistic3A_64 = math.exp %logistic3A_63 : vector<256x256xf32>
    %logistic3A_65 = arith.constant 1.000000e+00 : f32
    %logistic3A_66 = vector.broadcast %logistic3A_65 : f32 to vector<256x256xf32>
    %logistic3A_67 = arith.addf %logistic3A_66, %logistic3A_64 : vector<256x256xf32>
    %logistic3A_68 = arith.divf %logistic3A_66, %logistic3A_67 : vector<256x256xf32>
    %slice3A_69 = vector.extract_strided_slice %add3A {offsets = [0, 256], sizes = [1, 256], strides = [1, 1]} : vector<1x768xf32> to vector<1x256xf32>
    %slice3A_70 = vector.extract_strided_slice %add3A_58 {offsets = [0, 256], sizes = [256, 256], strides = [1, 1]} : vector<256x768xf32> to vector<256x256xf32>
    %add3A_71 = vector.broadcast %slice3A_69 : vector<1x256xf32> to vector<256x256xf32>
    %add3A_72 = arith.addf %add3A_71, %slice3A_70 : vector<256x256xf32>
    %logistic3A_73 = arith.negf %add3A_72 : vector<256x256xf32>
    %logistic3A_74 = math.exp %logistic3A_73 : vector<256x256xf32>
    %logistic3A_75 = arith.constant 1.000000e+00 : f32
    %logistic3A_76 = vector.broadcast %logistic3A_75 : f32 to vector<256x256xf32>
    %logistic3A_77 = arith.addf %logistic3A_76, %logistic3A_74 : vector<256x256xf32>
    %logistic3A_78 = arith.divf %logistic3A_76, %logistic3A_77 : vector<256x256xf32>
    %slice3A_79 = vector.extract_strided_slice %add3A {offsets = [0, 512], sizes = [1, 256], strides = [1, 1]} : vector<1x768xf32> to vector<1x256xf32>
    %slice3A_80 = vector.extract_strided_slice %add3A_58 {offsets = [0, 512], sizes = [256, 256], strides = [1, 1]} : vector<256x768xf32> to vector<256x256xf32>
    %mul3A_81 = arith.mulf %logistic3A_68, %slice3A_80 : vector<256x256xf32>
    %add3A_82 = vector.broadcast %slice3A_79 : vector<1x256xf32> to vector<256x256xf32>
    %add3A_83 = arith.addf %add3A_82, %mul3A_81 : vector<256x256xf32>
    %tanh3A_84 = math.tanh %add3A_83 : vector<256x256xf32>
    %sub3A_85 = arith.constant 1.000000e+00 : f32
    %sub3A_86 = vector.broadcast %sub3A_85 : f32 to vector<256x256xf32>
    %sub3A_87 = arith.subf %sub3A_86, %logistic3A_78 : vector<256x256xf32>
    %mul3A_88 = arith.mulf %sub3A_87, %tanh3A_84 : vector<256x256xf32>
    %mul3A_89 = arith.mulf %logistic3A_78, %mul3A_54 : vector<256x256xf32>
    %add3A_90 = arith.addf %mul3A_88, %mul3A_89 : vector<256x256xf32>
    %get3A_91 = arith.constant 256 : index
    %get3A_92 = arith.constant 0 : index
    %get3A_93 = vector.load %arg1[%get3A_91, %get3A_92] : memref<512x256xf32, #tpu.memory_space<vmem>>, vector<256x256xf32>
    %dot_general3A_94 = arith.constant dense<0.000000e+00> : vector<256x768xf32>
    %dot_general3A_95 = tpu.matmul %get3A_93, %get3A_4, %dot_general3A_94 {dimension_numbers = #tpu.dot_dimension_numbers<[1], [1], [0], [0], [0, 0, 1, 0], [], []>, transpose_lhs_hint = false} : vector<256x256xf32>, vector<768x256xf32>, vector<256x768xf32> -> vector<256x768xf32>
    %add3A_96 = vector.broadcast %get3A_10 : vector<1x768xf32> to vector<256x768xf32>
    %add3A_97 = arith.addf %dot_general3A_95, %add3A_96 : vector<256x768xf32>
    %slice3A_98 = vector.extract_strided_slice %add3A_97 {offsets = [0, 0], sizes = [256, 256], strides = [1, 1]} : vector<256x768xf32> to vector<256x256xf32>
    %slice3A_99 = vector.extract_strided_slice %get3A_13 {offsets = [0, 0], sizes = [1, 256], strides = [1, 1]} : vector<1x768xf32> to vector<1x256xf32>
    %add3A_100 = vector.broadcast %slice3A_99 : vector<1x256xf32> to vector<256x256xf32>
    %add3A_101 = arith.addf %slice3A_98, %add3A_100 : vector<256x256xf32>
    %logistic3A_102 = arith.negf %add3A_101 : vector<256x256xf32>
    %logistic3A_103 = math.exp %logistic3A_102 : vector<256x256xf32>
    %logistic3A_104 = arith.constant 1.000000e+00 : f32
    %logistic3A_105 = vector.broadcast %logistic3A_104 : f32 to vector<256x256xf32>
    %logistic3A_106 = arith.addf %logistic3A_105, %logistic3A_103 : vector<256x256xf32>
    %logistic3A_107 = arith.divf %logistic3A_105, %logistic3A_106 : vector<256x256xf32>
    %slice3A_108 = vector.extract_strided_slice %add3A_97 {offsets = [0, 256], sizes = [256, 256], strides = [1, 1]} : vector<256x768xf32> to vector<256x256xf32>
    %slice3A_109 = vector.extract_strided_slice %get3A_13 {offsets = [0, 256], sizes = [1, 256], strides = [1, 1]} : vector<1x768xf32> to vector<1x256xf32>
    %add3A_110 = vector.broadcast %slice3A_109 : vector<1x256xf32> to vector<256x256xf32>
    %add3A_111 = arith.addf %slice3A_108, %add3A_110 : vector<256x256xf32>
    %logistic3A_112 = arith.negf %add3A_111 : vector<256x256xf32>
    %logistic3A_113 = math.exp %logistic3A_112 : vector<256x256xf32>
    %logistic3A_114 = arith.constant 1.000000e+00 : f32
    %logistic3A_115 = vector.broadcast %logistic3A_114 : f32 to vector<256x256xf32>
    %logistic3A_116 = arith.addf %logistic3A_115, %logistic3A_113 : vector<256x256xf32>
    %logistic3A_117 = arith.divf %logistic3A_115, %logistic3A_116 : vector<256x256xf32>
    %slice3A_118 = vector.extract_strided_slice %add3A_97 {offsets = [0, 512], sizes = [256, 256], strides = [1, 1]} : vector<256x768xf32> to vector<256x256xf32>
    %slice3A_119 = vector.extract_strided_slice %get3A_13 {offsets = [0, 512], sizes = [1, 256], strides = [1, 1]} : vector<1x768xf32> to vector<1x256xf32>
    %mul3A_120 = vector.broadcast %slice3A_119 : vector<1x256xf32> to vector<256x256xf32>
    %mul3A_121 = arith.mulf %logistic3A_107, %mul3A_120 : vector<256x256xf32>
    %add3A_122 = arith.addf %slice3A_118, %mul3A_121 : vector<256x256xf32>
    %tanh3A_123 = math.tanh %add3A_122 : vector<256x256xf32>
    %sub3A_124 = arith.constant 1.000000e+00 : f32
    %sub3A_125 = vector.broadcast %sub3A_124 : f32 to vector<256x256xf32>
    %sub3A_126 = arith.subf %sub3A_125, %logistic3A_117 : vector<256x256xf32>
    %mul3A_127 = arith.mulf %sub3A_126, %tanh3A_123 : vector<256x256xf32>
    %dot_general3A_128 = arith.constant dense<0.000000e+00> : vector<256x768xf32>
    %dot_general3A_129 = tpu.matmul %mul3A_127, %get3A_7, %dot_general3A_128 {dimension_numbers = #tpu.dot_dimension_numbers<[1], [1], [0], [0], [0, 0, 1, 0], [], []>, transpose_lhs_hint = false} : vector<256x256xf32>, vector<768x256xf32>, vector<256x768xf32> -> vector<256x768xf32>
    %add3A_130 = vector.broadcast %get3A_13 : vector<1x768xf32> to vector<256x768xf32>
    %add3A_131 = arith.addf %dot_general3A_129, %add3A_130 : vector<256x768xf32>
    %slice3A_132 = vector.extract_strided_slice %add3A {offsets = [0, 0], sizes = [1, 256], strides = [1, 1]} : vector<1x768xf32> to vector<1x256xf32>
    %slice3A_133 = vector.extract_strided_slice %add3A_131 {offsets = [0, 0], sizes = [256, 256], strides = [1, 1]} : vector<256x768xf32> to vector<256x256xf32>
    %add3A_134 = vector.broadcast %slice3A_132 : vector<1x256xf32> to vector<256x256xf32>
    %add3A_135 = arith.addf %add3A_134, %slice3A_133 : vector<256x256xf32>
    %logistic3A_136 = arith.negf %add3A_135 : vector<256x256xf32>
    %logistic3A_137 = math.exp %logistic3A_136 : vector<256x256xf32>
    %logistic3A_138 = arith.constant 1.000000e+00 : f32
    %logistic3A_139 = vector.broadcast %logistic3A_138 : f32 to vector<256x256xf32>
    %logistic3A_140 = arith.addf %logistic3A_139, %logistic3A_137 : vector<256x256xf32>
    %logistic3A_141 = arith.divf %logistic3A_139, %logistic3A_140 : vector<256x256xf32>
    %slice3A_142 = vector.extract_strided_slice %add3A {offsets = [0, 256], sizes = [1, 256], strides = [1, 1]} : vector<1x768xf32> to vector<1x256xf32>
    %slice3A_143 = vector.extract_strided_slice %add3A_131 {offsets = [0, 256], sizes = [256, 256], strides = [1, 1]} : vector<256x768xf32> to vector<256x256xf32>
    %add3A_144 = vector.broadcast %slice3A_142 : vector<1x256xf32> to vector<256x256xf32>
    %add3A_145 = arith.addf %add3A_144, %slice3A_143 : vector<256x256xf32>
    %logistic3A_146 = arith.negf %add3A_145 : vector<256x256xf32>
    %logistic3A_147 = math.exp %logistic3A_146 : vector<256x256xf32>
    %logistic3A_148 = arith.constant 1.000000e+00 : f32
    %logistic3A_149 = vector.broadcast %logistic3A_148 : f32 to vector<256x256xf32>
    %logistic3A_150 = arith.addf %logistic3A_149, %logistic3A_147 : vector<256x256xf32>
    %logistic3A_151 = arith.divf %logistic3A_149, %logistic3A_150 : vector<256x256xf32>
    %slice3A_152 = vector.extract_strided_slice %add3A {offsets = [0, 512], sizes = [1, 256], strides = [1, 1]} : vector<1x768xf32> to vector<1x256xf32>
    %slice3A_153 = vector.extract_strided_slice %add3A_131 {offsets = [0, 512], sizes = [256, 256], strides = [1, 1]} : vector<256x768xf32> to vector<256x256xf32>
    %mul3A_154 = arith.mulf %logistic3A_141, %slice3A_153 : vector<256x256xf32>
    %add3A_155 = vector.broadcast %slice3A_152 : vector<1x256xf32> to vector<256x256xf32>
    %add3A_156 = arith.addf %add3A_155, %mul3A_154 : vector<256x256xf32>
    %tanh3A_157 = math.tanh %add3A_156 : vector<256x256xf32>
    %sub3A_158 = arith.constant 1.000000e+00 : f32
    %sub3A_159 = vector.broadcast %sub3A_158 : f32 to vector<256x256xf32>
    %sub3A_160 = arith.subf %sub3A_159, %logistic3A_151 : vector<256x256xf32>
    %mul3A_161 = arith.mulf %sub3A_160, %tanh3A_157 : vector<256x256xf32>
    %mul3A_162 = arith.mulf %logistic3A_151, %mul3A_127 : vector<256x256xf32>
    %add3A_163 = arith.addf %mul3A_161, %mul3A_162 : vector<256x256xf32>
    %mul3A_164 = arith.mulf %add3A_90, %add3A_90 : vector<256x256xf32>
    %reduce_sum3A_165 = arith.constant dense<0.000000e+00> : vector<256xf32>
    %reduce_sum3A_166 = vector.multi_reduction <add>, %mul3A_164, %reduce_sum3A_165 [1] : vector<256x256xf32> to vector<256xf32>
    %broadcast_in_dim3A_167 = vector.shape_cast %reduce_sum3A_166 : vector<256xf32> to vector<256x1xf32>
    %dot_general3A_168 = arith.constant dense<0.000000e+00> : vector<256x1024xf32>
    %dot_general3A_169 = tpu.matmul %add3A_90, %mul3A_17, %dot_general3A_168 {dimension_numbers = #tpu.dot_dimension_numbers<[1], [1], [0], [0], [0, 0, 1, 0], [], []>, transpose_lhs_hint = false} : vector<256x256xf32>, vector<1024x256xf32>, vector<256x1024xf32> -> vector<256x1024xf32>
    %add3A_170 = vector.broadcast %broadcast_in_dim3A_167 : vector<256x1xf32> to vector<256x1024xf32>
    %add3A_171 = arith.addf %add3A_170, %dot_general3A_169 : vector<256x1024xf32>
    %add3A_172 = vector.broadcast %reshape3A : vector<1x1024xf32> to vector<256x1024xf32>
    %add3A_173 = arith.addf %add3A_171, %add3A_172 : vector<256x1024xf32>
    %max3A = arith.constant 9.99999996E-13 : f32
    %max3A_174 = vector.broadcast %max3A : f32 to vector<256x1024xf32>
    %max3A_175 = arith.maximumf %add3A_173, %max3A_174 : vector<256x1024xf32>
    %sqrt3A = math.sqrt %max3A_175 : vector<256x1024xf32>
    %reduce_min3A = arith.constant dense<0x7F800000> : vector<256xf32>
    %reduce_min3A_176 = vector.multi_reduction <minimumf>, %sqrt3A, %reduce_min3A [1] : vector<256x1024xf32> to vector<256xf32>
    %broadcast_in_dim3A_177 = vector.shape_cast %reduce_min3A_176 : vector<256xf32> to vector<256x1xf32>
    %eq3A = vector.broadcast %broadcast_in_dim3A_177 : vector<256x1xf32> to vector<256x1024xf32>
    %eq3A_178 = arith.cmpf oeq, %sqrt3A, %eq3A : vector<256x1024xf32>
    %jit3A = arith.constant 1024 : i32
    %broadcast_in_dim3A_179 = vector.broadcast %jit3A : i32 to vector<256x1024xi32>
    %select_n3A = arith.select %eq3A_178, %iota3A, %broadcast_in_dim3A_179 : vector<256x1024xi1>, vector<256x1024xi32>
    %reduce_min3A_180 = arith.constant dense<2147483647> : vector<256xi32>
    %reduce_min3A_181 = vector.multi_reduction <minsi>, %select_n3A, %reduce_min3A_180 [1] : vector<256x1024xi32> to vector<256xi32>
    %broadcast_in_dim3A_182 = vector.shape_cast %reduce_min3A_181 : vector<256xi32> to vector<256x1xi32>
    %eq3A_183 = vector.broadcast %broadcast_in_dim3A_182 : vector<256x1xi32> to vector<256x1024xi32>
    %eq3A_184 = arith.cmpi eq, %iota3A, %eq3A_183 : vector<256x1024xi32>
    %convert_element_type3A = arith.extui %eq3A_184 : vector<256x1024xi1> to vector<256x1024xi32>
    %convert_element_type3A_185 = arith.sitofp %convert_element_type3A : vector<256x1024xi32> to vector<256x1024xf32>
    %dot_general3A_186 = arith.constant dense<0.000000e+00> : vector<256x256xf32>
    %dot_general3A_187 = tpu.matmul %convert_element_type3A_185, %get3A_1, %dot_general3A_186 {dimension_numbers = #tpu.dot_dimension_numbers<[1], [0], [0], [1], [0, 0, 1, 1], [], []>, transpose_lhs_hint = false} : vector<256x1024xf32>, vector<1024x256xf32>, vector<256x256xf32> -> vector<256x256xf32>
    %mul3A_188 = arith.mulf %add3A_163, %add3A_163 : vector<256x256xf32>
    %reduce_sum3A_189 = arith.constant dense<0.000000e+00> : vector<256xf32>
    %reduce_sum3A_190 = vector.multi_reduction <add>, %mul3A_188, %reduce_sum3A_189 [1] : vector<256x256xf32> to vector<256xf32>
    %broadcast_in_dim3A_191 = vector.shape_cast %reduce_sum3A_190 : vector<256xf32> to vector<256x1xf32>
    %dot_general3A_192 = arith.constant dense<0.000000e+00> : vector<256x1024xf32>
    %dot_general3A_193 = tpu.matmul %add3A_163, %mul3A_17, %dot_general3A_192 {dimension_numbers = #tpu.dot_dimension_numbers<[1], [1], [0], [0], [0, 0, 1, 0], [], []>, transpose_lhs_hint = false} : vector<256x256xf32>, vector<1024x256xf32>, vector<256x1024xf32> -> vector<256x1024xf32>
    %add3A_194 = vector.broadcast %broadcast_in_dim3A_191 : vector<256x1xf32> to vector<256x1024xf32>
    %add3A_195 = arith.addf %add3A_194, %dot_general3A_193 : vector<256x1024xf32>
    %add3A_196 = vector.broadcast %reshape3A : vector<1x1024xf32> to vector<256x1024xf32>
    %add3A_197 = arith.addf %add3A_195, %add3A_196 : vector<256x1024xf32>
    %max3A_198 = arith.constant 9.99999996E-13 : f32
    %max3A_199 = vector.broadcast %max3A_198 : f32 to vector<256x1024xf32>
    %max3A_200 = arith.maximumf %add3A_197, %max3A_199 : vector<256x1024xf32>
    %sqrt3A_201 = math.sqrt %max3A_200 : vector<256x1024xf32>
    %reduce_min3A_202 = arith.constant dense<0x7F800000> : vector<256xf32>
    %reduce_min3A_203 = vector.multi_reduction <minimumf>, %sqrt3A_201, %reduce_min3A_202 [1] : vector<256x1024xf32> to vector<256xf32>
    %broadcast_in_dim3A_204 = vector.shape_cast %reduce_min3A_203 : vector<256xf32> to vector<256x1xf32>
    %eq3A_205 = vector.broadcast %broadcast_in_dim3A_204 : vector<256x1xf32> to vector<256x1024xf32>
    %eq3A_206 = arith.cmpf oeq, %sqrt3A_201, %eq3A_205 : vector<256x1024xf32>
    %jit3A_207 = arith.constant 1024 : i32
    %broadcast_in_dim3A_208 = vector.broadcast %jit3A_207 : i32 to vector<256x1024xi32>
    %select_n3A_209 = arith.select %eq3A_206, %iota3A, %broadcast_in_dim3A_208 : vector<256x1024xi1>, vector<256x1024xi32>
    %reduce_min3A_210 = arith.constant dense<2147483647> : vector<256xi32>
    %reduce_min3A_211 = vector.multi_reduction <minsi>, %select_n3A_209, %reduce_min3A_210 [1] : vector<256x1024xi32> to vector<256xi32>
    %broadcast_in_dim3A_212 = vector.shape_cast %reduce_min3A_211 : vector<256xi32> to vector<256x1xi32>
    %eq3A_213 = vector.broadcast %broadcast_in_dim3A_212 : vector<256x1xi32> to vector<256x1024xi32>
    %eq3A_214 = arith.cmpi eq, %iota3A, %eq3A_213 : vector<256x1024xi32>
    %convert_element_type3A_215 = arith.extui %eq3A_214 : vector<256x1024xi1> to vector<256x1024xi32>
    %convert_element_type3A_216 = arith.sitofp %convert_element_type3A_215 : vector<256x1024xi32> to vector<256x1024xf32>
    %dot_general3A_217 = arith.constant dense<0.000000e+00> : vector<256x256xf32>
    %dot_general3A_218 = tpu.matmul %convert_element_type3A_216, %get3A_1, %dot_general3A_217 {dimension_numbers = #tpu.dot_dimension_numbers<[1], [0], [0], [1], [0, 0, 1, 1], [], []>, transpose_lhs_hint = false} : vector<256x1024xf32>, vector<1024x256xf32>, vector<256x256xf32> -> vector<256x256xf32>
    %swap3A = arith.constant 0 : index
    %swap3A_219 = arith.constant 0 : index
    %swap3A_220 = vector.load %arg8[%swap3A, %swap3A_219] : memref<512x2048xf32, #tpu.memory_space<vmem>>, vector<256x256xf32>
    tpu.vector_store %arg8[%swap3A, %swap3A_219], %dot_general3A_187 {strides = array<i32>} : memref<512x2048xf32, #tpu.memory_space<vmem>>, vector<256x256xf32>,
    %swap3A_221 = arith.constant 256 : index
    %swap3A_222 = arith.constant 0 : index
    %swap3A_223 = vector.load %arg8[%swap3A_221, %swap3A_222] : memref<512x2048xf32, #tpu.memory_space<vmem>>, vector<256x256xf32>
    tpu.vector_store %arg8[%swap3A_221, %swap3A_222], %dot_general3A_218 {strides = array<i32>} : memref<512x2048xf32, #tpu.memory_space<vmem>>, vector<256x256xf32>,
    %dot_general3A_224 = arith.constant dense<0.000000e+00> : vector<256x768xf32>
    %dot_general3A_225 = tpu.matmul %dot_general3A_187, %get3A_4, %dot_general3A_224 {dimension_numbers = #tpu.dot_dimension_numbers<[1], [1], [0], [0], [0, 0, 1, 0], [], []>, transpose_lhs_hint = false} : vector<256x256xf32>, vector<768x256xf32>, vector<256x768xf32> -> vector<256x768xf32>
    %add3A_226 = vector.broadcast %get3A_10 : vector<1x768xf32> to vector<256x768xf32>
    %add3A_227 = arith.addf %dot_general3A_225, %add3A_226 : vector<256x768xf32>
    %dot_general3A_228 = arith.constant dense<0.000000e+00> : vector<256x768xf32>
    %dot_general3A_229 = tpu.matmul %add3A_90, %get3A_7, %dot_general3A_228 {dimension_numbers = #tpu.dot_dimension_numbers<[1], [1], [0], [0], [0, 0, 1, 0], [], []>, transpose_lhs_hint = false} : vector<256x256xf32>, vector<768x256xf32>, vector<256x768xf32> -> vector<256x768xf32>
    %add3A_230 = vector.broadcast %get3A_13 : vector<1x768xf32> to vector<256x768xf32>
    %add3A_231 = arith.addf %dot_general3A_229, %add3A_230 : vector<256x768xf32>
    %slice3A_232 = vector.extract_strided_slice %add3A_227 {offsets = [0, 0], sizes = [256, 256], strides = [1, 1]} : vector<256x768xf32> to vector<256x256xf32>
    %slice3A_233 = vector.extract_strided_slice %add3A_231 {offsets = [0, 0], sizes = [256, 256], strides = [1, 1]} : vector<256x768xf32> to vector<256x256xf32>
    %add3A_234 = arith.addf %slice3A_232, %slice3A_233 : vector<256x256xf32>
    %logistic3A_235 = arith.negf %add3A_234 : vector<256x256xf32>
    %logistic3A_236 = math.exp %logistic3A_235 : vector<256x256xf32>
    %logistic3A_237 = arith.constant 1.000000e+00 : f32
    %logistic3A_238 = vector.broadcast %logistic3A_237 : f32 to vector<256x256xf32>
    %logistic3A_239 = arith.addf %logistic3A_238, %logistic3A_236 : vector<256x256xf32>
    %logistic3A_240 = arith.divf %logistic3A_238, %logistic3A_239 : vector<256x256xf32>
    %slice3A_241 = vector.extract_strided_slice %add3A_227 {offsets = [0, 256], sizes = [256, 256], strides = [1, 1]} : vector<256x768xf32> to vector<256x256xf32>
    %slice3A_242 = vector.extract_strided_slice %add3A_231 {offsets = [0, 256], sizes = [256, 256], strides = [1, 1]} : vector<256x768xf32> to vector<256x256xf32>
    %add3A_243 = arith.addf %slice3A_241, %slice3A_242 : vector<256x256xf32>
    %logistic3A_244 = arith.negf %add3A_243 : vector<256x256xf32>
    %logistic3A_245 = math.exp %logistic3A_244 : vector<256x256xf32>
    %logistic3A_246 = arith.constant 1.000000e+00 : f32
    %logistic3A_247 = vector.broadcast %logistic3A_246 : f32 to vector<256x256xf32>
    %logistic3A_248 = arith.addf %logistic3A_247, %logistic3A_245 : vector<256x256xf32>
    %logistic3A_249 = arith.divf %logistic3A_247, %logistic3A_248 : vector<256x256xf32>
    %slice3A_250 = vector.extract_strided_slice %add3A_227 {offsets = [0, 512], sizes = [256, 256], strides = [1, 1]} : vector<256x768xf32> to vector<256x256xf32>
    %slice3A_251 = vector.extract_strided_slice %add3A_231 {offsets = [0, 512], sizes = [256, 256], strides = [1, 1]} : vector<256x768xf32> to vector<256x256xf32>
    %mul3A_252 = arith.mulf %logistic3A_240, %slice3A_251 : vector<256x256xf32>
    %add3A_253 = arith.addf %slice3A_250, %mul3A_252 : vector<256x256xf32>
    %tanh3A_254 = math.tanh %add3A_253 : vector<256x256xf32>
    %sub3A_255 = arith.constant 1.000000e+00 : f32
    %sub3A_256 = vector.broadcast %sub3A_255 : f32 to vector<256x256xf32>
    %sub3A_257 = arith.subf %sub3A_256, %logistic3A_249 : vector<256x256xf32>
    %mul3A_258 = arith.mulf %sub3A_257, %tanh3A_254 : vector<256x256xf32>
    %mul3A_259 = arith.mulf %logistic3A_249, %add3A_90 : vector<256x256xf32>
    %add3A_260 = arith.addf %mul3A_258, %mul3A_259 : vector<256x256xf32>
    %dot_general3A_261 = arith.constant dense<0.000000e+00> : vector<256x768xf32>
    %dot_general3A_262 = tpu.matmul %dot_general3A_218, %get3A_4, %dot_general3A_261 {dimension_numbers = #tpu.dot_dimension_numbers<[1], [1], [0], [0], [0, 0, 1, 0], [], []>, transpose_lhs_hint = false} : vector<256x256xf32>, vector<768x256xf32>, vector<256x768xf32> -> vector<256x768xf32>
    %add3A_263 = vector.broadcast %get3A_10 : vector<1x768xf32> to vector<256x768xf32>
    %add3A_264 = arith.addf %dot_general3A_262, %add3A_263 : vector<256x768xf32>
    %dot_general3A_265 = arith.constant dense<0.000000e+00> : vector<256x768xf32>
    %dot_general3A_266 = tpu.matmul %add3A_163, %get3A_7, %dot_general3A_265 {dimension_numbers = #tpu.dot_dimension_numbers<[1], [1], [0], [0], [0, 0, 1, 0], [], []>, transpose_lhs_hint = false} : vector<256x256xf32>, vector<768x256xf32>, vector<256x768xf32> -> vector<256x768xf32>
    %add3A_267 = vector.broadcast %get3A_13 : vector<1x768xf32> to vector<256x768xf32>
    %add3A_268 = arith.addf %dot_general3A_266, %add3A_267 : vector<256x768xf32>
    %slice3A_269 = vector.extract_strided_slice %add3A_264 {offsets = [0, 0], sizes = [256, 256], strides = [1, 1]} : vector<256x768xf32> to vector<256x256xf32>
    %slice3A_270 = vector.extract_strided_slice %add3A_268 {offsets = [0, 0], sizes = [256, 256], strides = [1, 1]} : vector<256x768xf32> to vector<256x256xf32>
    %add3A_271 = arith.addf %slice3A_269, %slice3A_270 : vector<256x256xf32>
    %logistic3A_272 = arith.negf %add3A_271 : vector<256x256xf32>
    %logistic3A_273 = math.exp %logistic3A_272 : vector<256x256xf32>
    %logistic3A_274 = arith.constant 1.000000e+00 : f32
    %logistic3A_275 = vector.broadcast %logistic3A_274 : f32 to vector<256x256xf32>
    %logistic3A_276 = arith.addf %logistic3A_275, %logistic3A_273 : vector<256x256xf32>
    %logistic3A_277 = arith.divf %logistic3A_275, %logistic3A_276 : vector<256x256xf32>
    %slice3A_278 = vector.extract_strided_slice %add3A_264 {offsets = [0, 256], sizes = [256, 256], strides = [1, 1]} : vector<256x768xf32> to vector<256x256xf32>
    %slice3A_279 = vector.extract_strided_slice %add3A_268 {offsets = [0, 256], sizes = [256, 256], strides = [1, 1]} : vector<256x768xf32> to vector<256x256xf32>
    %add3A_280 = arith.addf %slice3A_278, %slice3A_279 : vector<256x256xf32>
    %logistic3A_281 = arith.negf %add3A_280 : vector<256x256xf32>
    %logistic3A_282 = math.exp %logistic3A_281 : vector<256x256xf32>
    %logistic3A_283 = arith.constant 1.000000e+00 : f32
    %logistic3A_284 = vector.broadcast %logistic3A_283 : f32 to vector<256x256xf32>
    %logistic3A_285 = arith.addf %logistic3A_284, %logistic3A_282 : vector<256x256xf32>
    %logistic3A_286 = arith.divf %logistic3A_284, %logistic3A_285 : vector<256x256xf32>
    %slice3A_287 = vector.extract_strided_slice %add3A_264 {offsets = [0, 512], sizes = [256, 256], strides = [1, 1]} : vector<256x768xf32> to vector<256x256xf32>
    %slice3A_288 = vector.extract_strided_slice %add3A_268 {offsets = [0, 512], sizes = [256, 256], strides = [1, 1]} : vector<256x768xf32> to vector<256x256xf32>
    %mul3A_289 = arith.mulf %logistic3A_277, %slice3A_288 : vector<256x256xf32>
    %add3A_290 = arith.addf %slice3A_287, %mul3A_289 : vector<256x256xf32>
    %tanh3A_291 = math.tanh %add3A_290 : vector<256x256xf32>
    %sub3A_292 = arith.constant 1.000000e+00 : f32
    %sub3A_293 = vector.broadcast %sub3A_292 : f32 to vector<256x256xf32>
    %sub3A_294 = arith.subf %sub3A_293, %logistic3A_286 : vector<256x256xf32>
    %mul3A_295 = arith.mulf %sub3A_294, %tanh3A_291 : vector<256x256xf32>
    %mul3A_296 = arith.mulf %logistic3A_286, %add3A_163 : vector<256x256xf32>
    %add3A_297 = arith.addf %mul3A_295, %mul3A_296 : vector<256x256xf32>
    %mul3A_298 = arith.mulf %add3A_260, %add3A_260 : vector<256x256xf32>
    %reduce_sum3A_299 = arith.constant dense<0.000000e+00> : vector<256xf32>
    %reduce_sum3A_300 = vector.multi_reduction <add>, %mul3A_298, %reduce_sum3A_299 [1] : vector<256x256xf32> to vector<256xf32>
    %broadcast_in_dim3A_301 = vector.shape_cast %reduce_sum3A_300 : vector<256xf32> to vector<256x1xf32>
    %dot_general3A_302 = arith.constant dense<0.000000e+00> : vector<256x1024xf32>
    %dot_general3A_303 = tpu.matmul %add3A_260, %mul3A_17, %dot_general3A_302 {dimension_numbers = #tpu.dot_dimension_numbers<[1], [1], [0], [0], [0, 0, 1, 0], [], []>, transpose_lhs_hint = false} : vector<256x256xf32>, vector<1024x256xf32>, vector<256x1024xf32> -> vector<256x1024xf32>
    %add3A_304 = vector.broadcast %broadcast_in_dim3A_301 : vector<256x1xf32> to vector<256x1024xf32>
    %add3A_305 = arith.addf %add3A_304, %dot_general3A_303 : vector<256x1024xf32>
    %add3A_306 = vector.broadcast %reshape3A : vector<1x1024xf32> to vector<256x1024xf32>
    %add3A_307 = arith.addf %add3A_305, %add3A_306 : vector<256x1024xf32>
    %max3A_308 = arith.constant 9.99999996E-13 : f32
    %max3A_309 = vector.broadcast %max3A_308 : f32 to vector<256x1024xf32>
    %max3A_310 = arith.maximumf %add3A_307, %max3A_309 : vector<256x1024xf32>
    %sqrt3A_311 = math.sqrt %max3A_310 : vector<256x1024xf32>
    %reduce_min3A_312 = arith.constant dense<0x7F800000> : vector<256xf32>
    %reduce_min3A_313 = vector.multi_reduction <minimumf>, %sqrt3A_311, %reduce_min3A_312 [1] : vector<256x1024xf32> to vector<256xf32>
    %broadcast_in_dim3A_314 = vector.shape_cast %reduce_min3A_313 : vector<256xf32> to vector<256x1xf32>
    %eq3A_315 = vector.broadcast %broadcast_in_dim3A_314 : vector<256x1xf32> to vector<256x1024xf32>
    %eq3A_316 = arith.cmpf oeq, %sqrt3A_311, %eq3A_315 : vector<256x1024xf32>
    %jit3A_317 = arith.constant 1024 : i32
    %broadcast_in_dim3A_318 = vector.broadcast %jit3A_317 : i32 to vector<256x1024xi32>
    %select_n3A_319 = arith.select %eq3A_316, %iota3A, %broadcast_in_dim3A_318 : vector<256x1024xi1>, vector<256x1024xi32>
    %reduce_min3A_320 = arith.constant dense<2147483647> : vector<256xi32>
    %reduce_min3A_321 = vector.multi_reduction <minsi>, %select_n3A_319, %reduce_min3A_320 [1] : vector<256x1024xi32> to vector<256xi32>
    %broadcast_in_dim3A_322 = vector.shape_cast %reduce_min3A_321 : vector<256xi32> to vector<256x1xi32>
    %eq3A_323 = vector.broadcast %broadcast_in_dim3A_322 : vector<256x1xi32> to vector<256x1024xi32>
    %eq3A_324 = arith.cmpi eq, %iota3A, %eq3A_323 : vector<256x1024xi32>
    %convert_element_type3A_325 = arith.extui %eq3A_324 : vector<256x1024xi1> to vector<256x1024xi32>
    %convert_element_type3A_326 = arith.sitofp %convert_element_type3A_325 : vector<256x1024xi32> to vector<256x1024xf32>
    %dot_general3A_327 = arith.constant dense<0.000000e+00> : vector<256x256xf32>
    %dot_general3A_328 = tpu.matmul %convert_element_type3A_326, %get3A_1, %dot_general3A_327 {dimension_numbers = #tpu.dot_dimension_numbers<[1], [0], [0], [1], [0, 0, 1, 1], [], []>, transpose_lhs_hint = false} : vector<256x1024xf32>, vector<1024x256xf32>, vector<256x256xf32> -> vector<256x256xf32>
    %mul3A_329 = arith.mulf %add3A_297, %add3A_297 : vector<256x256xf32>
    %reduce_sum3A_330 = arith.constant dense<0.000000e+00> : vector<256xf32>
    %reduce_sum3A_331 = vector.multi_reduction <add>, %mul3A_329, %reduce_sum3A_330 [1] : vector<256x256xf32> to vector<256xf32>
    %broadcast_in_dim3A_332 = vector.shape_cast %reduce_sum3A_331 : vector<256xf32> to vector<256x1xf32>
    %dot_general3A_333 = arith.constant dense<0.000000e+00> : vector<256x1024xf32>
    %dot_general3A_334 = tpu.matmul %add3A_297, %mul3A_17, %dot_general3A_333 {dimension_numbers = #tpu.dot_dimension_numbers<[1], [1], [0], [0], [0, 0, 1, 0], [], []>, transpose_lhs_hint = false} : vector<256x256xf32>, vector<1024x256xf32>, vector<256x1024xf32> -> vector<256x1024xf32>
    %add3A_335 = vector.broadcast %broadcast_in_dim3A_332 : vector<256x1xf32> to vector<256x1024xf32>
    %add3A_336 = arith.addf %add3A_335, %dot_general3A_334 : vector<256x1024xf32>
    %add3A_337 = vector.broadcast %reshape3A : vector<1x1024xf32> to vector<256x1024xf32>
    %add3A_338 = arith.addf %add3A_336, %add3A_337 : vector<256x1024xf32>
    %max3A_339 = arith.constant 9.99999996E-13 : f32
    %max3A_340 = vector.broadcast %max3A_339 : f32 to vector<256x1024xf32>
    %max3A_341 = arith.maximumf %add3A_338, %max3A_340 : vector<256x1024xf32>
    %sqrt3A_342 = math.sqrt %max3A_341 : vector<256x1024xf32>
    %reduce_min3A_343 = arith.constant dense<0x7F800000> : vector<256xf32>
    %reduce_min3A_344 = vector.multi_reduction <minimumf>, %sqrt3A_342, %reduce_min3A_343 [1] : vector<256x1024xf32> to vector<256xf32>
    %broadcast_in_dim3A_345 = vector.shape_cast %reduce_min3A_344 : vector<256xf32> to vector<256x1xf32>
    %eq3A_346 = vector.broadcast %broadcast_in_dim3A_345 : vector<256x1xf32> to vector<256x1024xf32>
    %eq3A_347 = arith.cmpf oeq, %sqrt3A_342, %eq3A_346 : vector<256x1024xf32>
    %jit3A_348 = arith.constant 1024 : i32
    %broadcast_in_dim3A_349 = vector.broadcast %jit3A_348 : i32 to vector<256x1024xi32>
    %select_n3A_350 = arith.select %eq3A_347, %iota3A, %broadcast_in_dim3A_349 : vector<256x1024xi1>, vector<256x1024xi32>
    %reduce_min3A_351 = arith.constant dense<2147483647> : vector<256xi32>
    %reduce_min3A_352 = vector.multi_reduction <minsi>, %select_n3A_350, %reduce_min3A_351 [1] : vector<256x1024xi32> to vector<256xi32>
    %broadcast_in_dim3A_353 = vector.shape_cast %reduce_min3A_352 : vector<256xi32> to vector<256x1xi32>
    %eq3A_354 = vector.broadcast %broadcast_in_dim3A_353 : vector<256x1xi32> to vector<256x1024xi32>
    %eq3A_355 = arith.cmpi eq, %iota3A, %eq3A_354 : vector<256x1024xi32>
    %convert_element_type3A_356 = arith.extui %eq3A_355 : vector<256x1024xi1> to vector<256x1024xi32>
    %convert_element_type3A_357 = arith.sitofp %convert_element_type3A_356 : vector<256x1024xi32> to vector<256x1024xf32>
    %dot_general3A_358 = arith.constant dense<0.000000e+00> : vector<256x256xf32>
    %dot_general3A_359 = tpu.matmul %convert_element_type3A_357, %get3A_1, %dot_general3A_358 {dimension_numbers = #tpu.dot_dimension_numbers<[1], [0], [0], [1], [0, 0, 1, 1], [], []>, transpose_lhs_hint = false} : vector<256x1024xf32>, vector<1024x256xf32>, vector<256x256xf32> -> vector<256x256xf32>
    %swap3A_360 = arith.constant 0 : index
    %swap3A_361 = arith.constant 256 : index
    %swap3A_362 = vector.load %arg8[%swap3A_360, %swap3A_361] : memref<512x2048xf32, #tpu.memory_space<vmem>>, vector<256x256xf32>
    tpu.vector_store %arg8[%swap3A_360, %swap3A_361], %dot_general3A_328 {strides = array<i32>} : memref<512x2048xf32, #tpu.memory_space<vmem>>, vector<256x256xf32>,
    %swap3A_363 = arith.constant 256 : index
    %swap3A_364 = arith.constant 256 : index
    %swap3A_365 = vector.load %arg8[%swap3A_363, %swap3A_364] : memref<512x2048xf32, #tpu.memory_space<vmem>>, vector<256x256xf32>
    tpu.vector_store %arg8[%swap3A_363, %swap3A_364], %dot_general3A_359 {strides = array<i32>} : memref<512x2048xf32, #tpu.memory_space<vmem>>, vector<256x256xf32>,
    %dot_general3A_366 = arith.constant dense<0.000000e+00> : vector<256x768xf32>
    %dot_general3A_367 = tpu.matmul %dot_general3A_328, %get3A_4, %dot_general3A_366 {dimension_numbers = #tpu.dot_dimension_numbers<[1], [1], [0], [0], [0, 0, 1, 0], [], []>, transpose_lhs_hint = false} : vector<256x256xf32>, vector<768x256xf32>, vector<256x768xf32> -> vector<256x768xf32>
    %add3A_368 = vector.broadcast %get3A_10 : vector<1x768xf32> to vector<256x768xf32>
    %add3A_369 = arith.addf %dot_general3A_367, %add3A_368 : vector<256x768xf32>
    %dot_general3A_370 = arith.constant dense<0.000000e+00> : vector<256x768xf32>
    %dot_general3A_371 = tpu.matmul %add3A_260, %get3A_7, %dot_general3A_370 {dimension_numbers = #tpu.dot_dimension_numbers<[1], [1], [0], [0], [0, 0, 1, 0], [], []>, transpose_lhs_hint = false} : vector<256x256xf32>, vector<768x256xf32>, vector<256x768xf32> -> vector<256x768xf32>
    %add3A_372 = vector.broadcast %get3A_13 : vector<1x768xf32> to vector<256x768xf32>
    %add3A_373 = arith.addf %dot_general3A_371, %add3A_372 : vector<256x768xf32>
    %slice3A_374 = vector.extract_strided_slice %add3A_369 {offsets = [0, 0], sizes = [256, 256], strides = [1, 1]} : vector<256x768xf32> to vector<256x256xf32>
    %slice3A_375 = vector.extract_strided_slice %add3A_373 {offsets = [0, 0], sizes = [256, 256], strides = [1, 1]} : vector<256x768xf32> to vector<256x256xf32>
    %add3A_376 = arith.addf %slice3A_374, %slice3A_375 : vector<256x256xf32>
    %logistic3A_377 = arith.negf %add3A_376 : vector<256x256xf32>
    %logistic3A_378 = math.exp %logistic3A_377 : vector<256x256xf32>
    %logistic3A_379 = arith.constant 1.000000e+00 : f32
    %logistic3A_380 = vector.broadcast %logistic3A_379 : f32 to vector<256x256xf32>
    %logistic3A_381 = arith.addf %logistic3A_380, %logistic3A_378 : vector<256x256xf32>
    %logistic3A_382 = arith.divf %logistic3A_380, %logistic3A_381 : vector<256x256xf32>
    %slice3A_383 = vector.extract_strided_slice %add3A_369 {offsets = [0, 256], sizes = [256, 256], strides = [1, 1]} : vector<256x768xf32> to vector<256x256xf32>
    %slice3A_384 = vector.extract_strided_slice %add3A_373 {offsets = [0, 256], sizes = [256, 256], strides = [1, 1]} : vector<256x768xf32> to vector<256x256xf32>
    %add3A_385 = arith.addf %slice3A_383, %slice3A_384 : vector<256x256xf32>
    %logistic3A_386 = arith.negf %add3A_385 : vector<256x256xf32>
    %logistic3A_387 = math.exp %logistic3A_386 : vector<256x256xf32>
    %logistic3A_388 = arith.constant 1.000000e+00 : f32
    %logistic3A_389 = vector.broadcast %logistic3A_388 : f32 to vector<256x256xf32>
    %logistic3A_390 = arith.addf %logistic3A_389, %logistic3A_387 : vector<256x256xf32>
    %logistic3A_391 = arith.divf %logistic3A_389, %logistic3A_390 : vector<256x256xf32>
    %slice3A_392 = vector.extract_strided_slice %add3A_369 {offsets = [0, 512], sizes = [256, 256], strides = [1, 1]} : vector<256x768xf32> to vector<256x256xf32>
    %slice3A_393 = vector.extract_strided_slice %add3A_373 {offsets = [0, 512], sizes = [256, 256], strides = [1, 1]} : vector<256x768xf32> to vector<256x256xf32>
    %mul3A_394 = arith.mulf %logistic3A_382, %slice3A_393 : vector<256x256xf32>
    %add3A_395 = arith.addf %slice3A_392, %mul3A_394 : vector<256x256xf32>
    %tanh3A_396 = math.tanh %add3A_395 : vector<256x256xf32>
    %sub3A_397 = arith.constant 1.000000e+00 : f32
    %sub3A_398 = vector.broadcast %sub3A_397 : f32 to vector<256x256xf32>
    %sub3A_399 = arith.subf %sub3A_398, %logistic3A_391 : vector<256x256xf32>
    %mul3A_400 = arith.mulf %sub3A_399, %tanh3A_396 : vector<256x256xf32>
    %mul3A_401 = arith.mulf %logistic3A_391, %add3A_260 : vector<256x256xf32>
    %add3A_402 = arith.addf %mul3A_400, %mul3A_401 : vector<256x256xf32>
    %dot_general3A_403 = arith.constant dense<0.000000e+00> : vector<256x768xf32>
    %dot_general3A_404 = tpu.matmul %dot_general3A_359, %get3A_4, %dot_general3A_403 {dimension_numbers = #tpu.dot_dimension_numbers<[1], [1], [0], [0], [0, 0, 1, 0], [], []>, transpose_lhs_hint = false} : vector<256x256xf32>, vector<768x256xf32>, vector<256x768xf32> -> vector<256x768xf32>
    %add3A_405 = vector.broadcast %get3A_10 : vector<1x768xf32> to vector<256x768xf32>
    %add3A_406 = arith.addf %dot_general3A_404, %add3A_405 : vector<256x768xf32>
    %dot_general3A_407 = arith.constant dense<0.000000e+00> : vector<256x768xf32>
    %dot_general3A_408 = tpu.matmul %add3A_297, %get3A_7, %dot_general3A_407 {dimension_numbers = #tpu.dot_dimension_numbers<[1], [1], [0], [0], [0, 0, 1, 0], [], []>, transpose_lhs_hint = false} : vector<256x256xf32>, vector<768x256xf32>, vector<256x768xf32> -> vector<256x768xf32>
    %add3A_409 = vector.broadcast %get3A_13 : vector<1x768xf32> to vector<256x768xf32>
    %add3A_410 = arith.addf %dot_general3A_408, %add3A_409 : vector<256x768xf32>
    %slice3A_411 = vector.extract_strided_slice %add3A_406 {offsets = [0, 0], sizes = [256, 256], strides = [1, 1]} : vector<256x768xf32> to vector<256x256xf32>
    %slice3A_412 = vector.extract_strided_slice %add3A_410 {offsets = [0, 0], sizes = [256, 256], strides = [1, 1]} : vector<256x768xf32> to vector<256x256xf32>
    %add3A_413 = arith.addf %slice3A_411, %slice3A_412 : vector<256x256xf32>
    %logistic3A_414 = arith.negf %add3A_413 : vector<256x256xf32>
    %logistic3A_415 = math.exp %logistic3A_414 : vector<256x256xf32>
    %logistic3A_416 = arith.constant 1.000000e+00 : f32
    %logistic3A_417 = vector.broadcast %logistic3A_416 : f32 to vector<256x256xf32>
    %logistic3A_418 = arith.addf %logistic3A_417, %logistic3A_415 : vector<256x256xf32>
    %logistic3A_419 = arith.divf %logistic3A_417, %logistic3A_418 : vector<256x256xf32>
    %slice3A_420 = vector.extract_strided_slice %add3A_406 {offsets = [0, 256], sizes = [256, 256], strides = [1, 1]} : vector<256x768xf32> to vector<256x256xf32>
    %slice3A_421 = vector.extract_strided_slice %add3A_410 {offsets = [0, 256], sizes = [256, 256], strides = [1, 1]} : vector<256x768xf32> to vector<256x256xf32>
    %add3A_422 = arith.addf %slice3A_420, %slice3A_421 : vector<256x256xf32>
    %logistic3A_423 = arith.negf %add3A_422 : vector<256x256xf32>
    %logistic3A_424 = math.exp %logistic3A_423 : vector<256x256xf32>
    %logistic3A_425 = arith.constant 1.000000e+00 : f32
    %logistic3A_426 = vector.broadcast %logistic3A_425 : f32 to vector<256x256xf32>
    %logistic3A_427 = arith.addf %logistic3A_426, %logistic3A_424 : vector<256x256xf32>
    %logistic3A_428 = arith.divf %logistic3A_426, %logistic3A_427 : vector<256x256xf32>
    %slice3A_429 = vector.extract_strided_slice %add3A_406 {offsets = [0, 512], sizes = [256, 256], strides = [1, 1]} : vector<256x768xf32> to vector<256x256xf32>
    %slice3A_430 = vector.extract_strided_slice %add3A_410 {offsets = [0, 512], sizes = [256, 256], strides = [1, 1]} : vector<256x768xf32> to vector<256x256xf32>
    %mul3A_431 = arith.mulf %logistic3A_419, %slice3A_430 : vector<256x256xf32>
    %add3A_432 = arith.addf %slice3A_429, %mul3A_431 : vector<256x256xf32>
    %tanh3A_433 = math.tanh %add3A_432 : vector<256x256xf32>
    %sub3A_434 = arith.constant 1.000000e+00 : f32
    %sub3A_435 = vector.broadcast %sub3A_434 : f32 to vector<256x256xf32>
    %sub3A_436 = arith.subf %sub3A_435, %logistic3A_428 : vector<256x256xf32>
    %mul3A_437 = arith.mulf %sub3A_436, %tanh3A_433 : vector<256x256xf32>
    %mul3A_438 = arith.mulf %logistic3A_428, %add3A_297 : vector<256x256xf32>
    %add3A_439 = arith.addf %mul3A_437, %mul3A_438 : vector<256x256xf32>
    %mul3A_440 = arith.mulf %add3A_402, %add3A_402 : vector<256x256xf32>
    %reduce_sum3A_441 = arith.constant dense<0.000000e+00> : vector<256xf32>
    %reduce_sum3A_442 = vector.multi_reduction <add>, %mul3A_440, %reduce_sum3A_441 [1] : vector<256x256xf32> to vector<256xf32>
    %broadcast_in_dim3A_443 = vector.shape_cast %reduce_sum3A_442 : vector<256xf32> to vector<256x1xf32>
    %dot_general3A_444 = arith.constant dense<0.000000e+00> : vector<256x1024xf32>
    %dot_general3A_445 = tpu.matmul %add3A_402, %mul3A_17, %dot_general3A_444 {dimension_numbers = #tpu.dot_dimension_numbers<[1], [1], [0], [0], [0, 0, 1, 0], [], []>, transpose_lhs_hint = false} : vector<256x256xf32>, vector<1024x256xf32>, vector<256x1024xf32> -> vector<256x1024xf32>
    %add3A_446 = vector.broadcast %broadcast_in_dim3A_443 : vector<256x1xf32> to vector<256x1024xf32>
    %add3A_447 = arith.addf %add3A_446, %dot_general3A_445 : vector<256x1024xf32>
    %add3A_448 = vector.broadcast %reshape3A : vector<1x1024xf32> to vector<256x1024xf32>
    %add3A_449 = arith.addf %add3A_447, %add3A_448 : vector<256x1024xf32>
    %max3A_450 = arith.constant 9.99999996E-13 : f32
    %max3A_451 = vector.broadcast %max3A_450 : f32 to vector<256x1024xf32>
    %max3A_452 = arith.maximumf %add3A_449, %max3A_451 : vector<256x1024xf32>
    %sqrt3A_453 = math.sqrt %max3A_452 : vector<256x1024xf32>
    %reduce_min3A_454 = arith.constant dense<0x7F800000> : vector<256xf32>
    %reduce_min3A_455 = vector.multi_reduction <minimumf>, %sqrt3A_453, %reduce_min3A_454 [1] : vector<256x1024xf32> to vector<256xf32>
    %broadcast_in_dim3A_456 = vector.shape_cast %reduce_min3A_455 : vector<256xf32> to vector<256x1xf32>
    %eq3A_457 = vector.broadcast %broadcast_in_dim3A_456 : vector<256x1xf32> to vector<256x1024xf32>
    %eq3A_458 = arith.cmpf oeq, %sqrt3A_453, %eq3A_457 : vector<256x1024xf32>
    %jit3A_459 = arith.constant 1024 : i32
    %broadcast_in_dim3A_460 = vector.broadcast %jit3A_459 : i32 to vector<256x1024xi32>
    %select_n3A_461 = arith.select %eq3A_458, %iota3A, %broadcast_in_dim3A_460 : vector<256x1024xi1>, vector<256x1024xi32>
    %reduce_min3A_462 = arith.constant dense<2147483647> : vector<256xi32>
    %reduce_min3A_463 = vector.multi_reduction <minsi>, %select_n3A_461, %reduce_min3A_462 [1] : vector<256x1024xi32> to vector<256xi32>
    %broadcast_in_dim3A_464 = vector.shape_cast %reduce_min3A_463 : vector<256xi32> to vector<256x1xi32>
    %eq3A_465 = vector.broadcast %broadcast_in_dim3A_464 : vector<256x1xi32> to vector<256x1024xi32>
    %eq3A_466 = arith.cmpi eq, %iota3A, %eq3A_465 : vector<256x1024xi32>
    %convert_element_type3A_467 = arith.extui %eq3A_466 : vector<256x1024xi1> to vector<256x1024xi32>
    %convert_element_type3A_468 = arith.sitofp %convert_element_type3A_467 : vector<256x1024xi32> to vector<256x1024xf32>
    %dot_general3A_469 = arith.constant dense<0.000000e+00> : vector<256x256xf32>
    %dot_general3A_470 = tpu.matmul %convert_element_type3A_468, %get3A_1, %dot_general3A_469 {dimension_numbers = #tpu.dot_dimension_numbers<[1], [0], [0], [1], [0, 0, 1, 1], [], []>, transpose_lhs_hint = false} : vector<256x1024xf32>, vector<1024x256xf32>, vector<256x256xf32> -> vector<256x256xf32>
    %mul3A_471 = arith.mulf %add3A_439, %add3A_439 : vector<256x256xf32>
    %reduce_sum3A_472 = arith.constant dense<0.000000e+00> : vector<256xf32>
    %reduce_sum3A_473 = vector.multi_reduction <add>, %mul3A_471, %reduce_sum3A_472 [1] : vector<256x256xf32> to vector<256xf32>
    %broadcast_in_dim3A_474 = vector.shape_cast %reduce_sum3A_473 : vector<256xf32> to vector<256x1xf32>
    %dot_general3A_475 = arith.constant dense<0.000000e+00> : vector<256x1024xf32>
    %dot_general3A_476 = tpu.matmul %add3A_439, %mul3A_17, %dot_general3A_475 {dimension_numbers = #tpu.dot_dimension_numbers<[1], [1], [0], [0], [0, 0, 1, 0], [], []>, transpose_lhs_hint = false} : vector<256x256xf32>, vector<1024x256xf32>, vector<256x1024xf32> -> vector<256x1024xf32>
    %add3A_477 = vector.broadcast %broadcast_in_dim3A_474 : vector<256x1xf32> to vector<256x1024xf32>
    %add3A_478 = arith.addf %add3A_477, %dot_general3A_476 : vector<256x1024xf32>
    %add3A_479 = vector.broadcast %reshape3A : vector<1x1024xf32> to vector<256x1024xf32>
    %add3A_480 = arith.addf %add3A_478, %add3A_479 : vector<256x1024xf32>
    %max3A_481 = arith.constant 9.99999996E-13 : f32
    %max3A_482 = vector.broadcast %max3A_481 : f32 to vector<256x1024xf32>
    %max3A_483 = arith.maximumf %add3A_480, %max3A_482 : vector<256x1024xf32>
    %sqrt3A_484 = math.sqrt %max3A_483 : vector<256x1024xf32>
    %reduce_min3A_485 = arith.constant dense<0x7F800000> : vector<256xf32>
    %reduce_min3A_486 = vector.multi_reduction <minimumf>, %sqrt3A_484, %reduce_min3A_485 [1] : vector<256x1024xf32> to vector<256xf32>
    %broadcast_in_dim3A_487 = vector.shape_cast %reduce_min3A_486 : vector<256xf32> to vector<256x1xf32>
    %eq3A_488 = vector.broadcast %broadcast_in_dim3A_487 : vector<256x1xf32> to vector<256x1024xf32>
    %eq3A_489 = arith.cmpf oeq, %sqrt3A_484, %eq3A_488 : vector<256x1024xf32>
    %jit3A_490 = arith.constant 1024 : i32
    %broadcast_in_dim3A_491 = vector.broadcast %jit3A_490 : i32 to vector<256x1024xi32>
    %select_n3A_492 = arith.select %eq3A_489, %iota3A, %broadcast_in_dim3A_491 : vector<256x1024xi1>, vector<256x1024xi32>
    %reduce_min3A_493 = arith.constant dense<2147483647> : vector<256xi32>
    %reduce_min3A_494 = vector.multi_reduction <minsi>, %select_n3A_492, %reduce_min3A_493 [1] : vector<256x1024xi32> to vector<256xi32>
    %broadcast_in_dim3A_495 = vector.shape_cast %reduce_min3A_494 : vector<256xi32> to vector<256x1xi32>
    %eq3A_496 = vector.broadcast %broadcast_in_dim3A_495 : vector<256x1xi32> to vector<256x1024xi32>
    %eq3A_497 = arith.cmpi eq, %iota3A, %eq3A_496 : vector<256x1024xi32>
    %convert_element_type3A_498 = arith.extui %eq3A_497 : vector<256x1024xi1> to vector<256x1024xi32>
    %convert_element_type3A_499 = arith.sitofp %convert_element_type3A_498 : vector<256x1024xi32> to vector<256x1024xf32>
    %dot_general3A_500 = arith.constant dense<0.000000e+00> : vector<256x256xf32>
    %dot_general3A_501 = tpu.matmul %convert_element_type3A_499, %get3A_1, %dot_general3A_500 {dimension_numbers = #tpu.dot_dimension_numbers<[1], [0], [0], [1], [0, 0, 1, 1], [], []>, transpose_lhs_hint = false} : vector<256x1024xf32>, vector<1024x256xf32>, vector<256x256xf32> -> vector<256x256xf32>
    %swap3A_502 = arith.constant 0 : index
    %swap3A_503 = arith.constant 512 : index
    %swap3A_504 = vector.load %arg8[%swap3A_502, %swap3A_503] : memref<512x2048xf32, #tpu.memory_space<vmem>>, vector<256x256xf32>
    tpu.vector_store %arg8[%swap3A_502, %swap3A_503], %dot_general3A_470 {strides = array<i32>} : memref<512x2048xf32, #tpu.memory_space<vmem>>, vector<256x256xf32>,
    %swap3A_505 = arith.constant 256 : index
    %swap3A_506 = arith.constant 512 : index
    %swap3A_507 = vector.load %arg8[%swap3A_505, %swap3A_506] : memref<512x2048xf32, #tpu.memory_space<vmem>>, vector<256x256xf32>
    tpu.vector_store %arg8[%swap3A_505, %swap3A_506], %dot_general3A_501 {strides = array<i32>} : memref<512x2048xf32, #tpu.memory_space<vmem>>, vector<256x256xf32>,
    %dot_general3A_508 = arith.constant dense<0.000000e+00> : vector<256x768xf32>
    %dot_general3A_509 = tpu.matmul %dot_general3A_470, %get3A_4, %dot_general3A_508 {dimension_numbers = #tpu.dot_dimension_numbers<[1], [1], [0], [0], [0, 0, 1, 0], [], []>, transpose_lhs_hint = false} : vector<256x256xf32>, vector<768x256xf32>, vector<256x768xf32> -> vector<256x768xf32>
    %add3A_510 = vector.broadcast %get3A_10 : vector<1x768xf32> to vector<256x768xf32>
    %add3A_511 = arith.addf %dot_general3A_509, %add3A_510 : vector<256x768xf32>
    %dot_general3A_512 = arith.constant dense<0.000000e+00> : vector<256x768xf32>
    %dot_general3A_513 = tpu.matmul %add3A_402, %get3A_7, %dot_general3A_512 {dimension_numbers = #tpu.dot_dimension_numbers<[1], [1], [0], [0], [0, 0, 1, 0], [], []>, transpose_lhs_hint = false} : vector<256x256xf32>, vector<768x256xf32>, vector<256x768xf32> -> vector<256x768xf32>
    %add3A_514 = vector.broadcast %get3A_13 : vector<1x768xf32> to vector<256x768xf32>
    %add3A_515 = arith.addf %dot_general3A_513, %add3A_514 : vector<256x768xf32>
    %slice3A_516 = vector.extract_strided_slice %add3A_511 {offsets = [0, 0], sizes = [256, 256], strides = [1, 1]} : vector<256x768xf32> to vector<256x256xf32>
    %slice3A_517 = vector.extract_strided_slice %add3A_515 {offsets = [0, 0], sizes = [256, 256], strides = [1, 1]} : vector<256x768xf32> to vector<256x256xf32>
    %add3A_518 = arith.addf %slice3A_516, %slice3A_517 : vector<256x256xf32>
    %logistic3A_519 = arith.negf %add3A_518 : vector<256x256xf32>
    %logistic3A_520 = math.exp %logistic3A_519 : vector<256x256xf32>
    %logistic3A_521 = arith.constant 1.000000e+00 : f32
    %logistic3A_522 = vector.broadcast %logistic3A_521 : f32 to vector<256x256xf32>
    %logistic3A_523 = arith.addf %logistic3A_522, %logistic3A_520 : vector<256x256xf32>
    %logistic3A_524 = arith.divf %logistic3A_522, %logistic3A_523 : vector<256x256xf32>
    %slice3A_525 = vector.extract_strided_slice %add3A_511 {offsets = [0, 256], sizes = [256, 256], strides = [1, 1]} : vector<256x768xf32> to vector<256x256xf32>
    %slice3A_526 = vector.extract_strided_slice %add3A_515 {offsets = [0, 256], sizes = [256, 256], strides = [1, 1]} : vector<256x768xf32> to vector<256x256xf32>
    %add3A_527 = arith.addf %slice3A_525, %slice3A_526 : vector<256x256xf32>
    %logistic3A_528 = arith.negf %add3A_527 : vector<256x256xf32>
    %logistic3A_529 = math.exp %logistic3A_528 : vector<256x256xf32>
    %logistic3A_530 = arith.constant 1.000000e+00 : f32
    %logistic3A_531 = vector.broadcast %logistic3A_530 : f32 to vector<256x256xf32>
    %logistic3A_532 = arith.addf %logistic3A_531, %logistic3A_529 : vector<256x256xf32>
    %logistic3A_533 = arith.divf %logistic3A_531, %logistic3A_532 : vector<256x256xf32>
    %slice3A_534 = vector.extract_strided_slice %add3A_511 {offsets = [0, 512], sizes = [256, 256], strides = [1, 1]} : vector<256x768xf32> to vector<256x256xf32>
    %slice3A_535 = vector.extract_strided_slice %add3A_515 {offsets = [0, 512], sizes = [256, 256], strides = [1, 1]} : vector<256x768xf32> to vector<256x256xf32>
    %mul3A_536 = arith.mulf %logistic3A_524, %slice3A_535 : vector<256x256xf32>
    %add3A_537 = arith.addf %slice3A_534, %mul3A_536 : vector<256x256xf32>
    %tanh3A_538 = math.tanh %add3A_537 : vector<256x256xf32>
    %sub3A_539 = arith.constant 1.000000e+00 : f32
    %sub3A_540 = vector.broadcast %sub3A_539 : f32 to vector<256x256xf32>
    %sub3A_541 = arith.subf %sub3A_540, %logistic3A_533 : vector<256x256xf32>
    %mul3A_542 = arith.mulf %sub3A_541, %tanh3A_538 : vector<256x256xf32>
    %mul3A_543 = arith.mulf %logistic3A_533, %add3A_402 : vector<256x256xf32>
    %add3A_544 = arith.addf %mul3A_542, %mul3A_543 : vector<256x256xf32>
    %dot_general3A_545 = arith.constant dense<0.000000e+00> : vector<256x768xf32>
    %dot_general3A_546 = tpu.matmul %dot_general3A_501, %get3A_4, %dot_general3A_545 {dimension_numbers = #tpu.dot_dimension_numbers<[1], [1], [0], [0], [0, 0, 1, 0], [], []>, transpose_lhs_hint = false} : vector<256x256xf32>, vector<768x256xf32>, vector<256x768xf32> -> vector<256x768xf32>
    %add3A_547 = vector.broadcast %get3A_10 : vector<1x768xf32> to vector<256x768xf32>
    %add3A_548 = arith.addf %dot_general3A_546, %add3A_547 : vector<256x768xf32>
    %dot_general3A_549 = arith.constant dense<0.000000e+00> : vector<256x768xf32>
    %dot_general3A_550 = tpu.matmul %add3A_439, %get3A_7, %dot_general3A_549 {dimension_numbers = #tpu.dot_dimension_numbers<[1], [1], [0], [0], [0, 0, 1, 0], [], []>, transpose_lhs_hint = false} : vector<256x256xf32>, vector<768x256xf32>, vector<256x768xf32> -> vector<256x768xf32>
    %add3A_551 = vector.broadcast %get3A_13 : vector<1x768xf32> to vector<256x768xf32>
    %add3A_552 = arith.addf %dot_general3A_550, %add3A_551 : vector<256x768xf32>
    %slice3A_553 = vector.extract_strided_slice %add3A_548 {offsets = [0, 0], sizes = [256, 256], strides = [1, 1]} : vector<256x768xf32> to vector<256x256xf32>
    %slice3A_554 = vector.extract_strided_slice %add3A_552 {offsets = [0, 0], sizes = [256, 256], strides = [1, 1]} : vector<256x768xf32> to vector<256x256xf32>
    %add3A_555 = arith.addf %slice3A_553, %slice3A_554 : vector<256x256xf32>
    %logistic3A_556 = arith.negf %add3A_555 : vector<256x256xf32>
    %logistic3A_557 = math.exp %logistic3A_556 : vector<256x256xf32>
    %logistic3A_558 = arith.constant 1.000000e+00 : f32
    %logistic3A_559 = vector.broadcast %logistic3A_558 : f32 to vector<256x256xf32>
    %logistic3A_560 = arith.addf %logistic3A_559, %logistic3A_557 : vector<256x256xf32>
    %logistic3A_561 = arith.divf %logistic3A_559, %logistic3A_560 : vector<256x256xf32>
    %slice3A_562 = vector.extract_strided_slice %add3A_548 {offsets = [0, 256], sizes = [256, 256], strides = [1, 1]} : vector<256x768xf32> to vector<256x256xf32>
    %slice3A_563 = vector.extract_strided_slice %add3A_552 {offsets = [0, 256], sizes = [256, 256], strides = [1, 1]} : vector<256x768xf32> to vector<256x256xf32>
    %add3A_564 = arith.addf %slice3A_562, %slice3A_563 : vector<256x256xf32>
    %logistic3A_565 = arith.negf %add3A_564 : vector<256x256xf32>
    %logistic3A_566 = math.exp %logistic3A_565 : vector<256x256xf32>
    %logistic3A_567 = arith.constant 1.000000e+00 : f32
    %logistic3A_568 = vector.broadcast %logistic3A_567 : f32 to vector<256x256xf32>
    %logistic3A_569 = arith.addf %logistic3A_568, %logistic3A_566 : vector<256x256xf32>
    %logistic3A_570 = arith.divf %logistic3A_568, %logistic3A_569 : vector<256x256xf32>
    %slice3A_571 = vector.extract_strided_slice %add3A_548 {offsets = [0, 512], sizes = [256, 256], strides = [1, 1]} : vector<256x768xf32> to vector<256x256xf32>
    %slice3A_572 = vector.extract_strided_slice %add3A_552 {offsets = [0, 512], sizes = [256, 256], strides = [1, 1]} : vector<256x768xf32> to vector<256x256xf32>
    %mul3A_573 = arith.mulf %logistic3A_561, %slice3A_572 : vector<256x256xf32>
    %add3A_574 = arith.addf %slice3A_571, %mul3A_573 : vector<256x256xf32>
    %tanh3A_575 = math.tanh %add3A_574 : vector<256x256xf32>
    %sub3A_576 = arith.constant 1.000000e+00 : f32
    %sub3A_577 = vector.broadcast %sub3A_576 : f32 to vector<256x256xf32>
    %sub3A_578 = arith.subf %sub3A_577, %logistic3A_570 : vector<256x256xf32>
    %mul3A_579 = arith.mulf %sub3A_578, %tanh3A_575 : vector<256x256xf32>
    %mul3A_580 = arith.mulf %logistic3A_570, %add3A_439 : vector<256x256xf32>
    %add3A_581 = arith.addf %mul3A_579, %mul3A_580 : vector<256x256xf32>
    %mul3A_582 = arith.mulf %add3A_544, %add3A_544 : vector<256x256xf32>
    %reduce_sum3A_583 = arith.constant dense<0.000000e+00> : vector<256xf32>
    %reduce_sum3A_584 = vector.multi_reduction <add>, %mul3A_582, %reduce_sum3A_583 [1] : vector<256x256xf32> to vector<256xf32>
    %broadcast_in_dim3A_585 = vector.shape_cast %reduce_sum3A_584 : vector<256xf32> to vector<256x1xf32>
    %dot_general3A_586 = arith.constant dense<0.000000e+00> : vector<256x1024xf32>
    %dot_general3A_587 = tpu.matmul %add3A_544, %mul3A_17, %dot_general3A_586 {dimension_numbers = #tpu.dot_dimension_numbers<[1], [1], [0], [0], [0, 0, 1, 0], [], []>, transpose_lhs_hint = false} : vector<256x256xf32>, vector<1024x256xf32>, vector<256x1024xf32> -> vector<256x1024xf32>
    %add3A_588 = vector.broadcast %broadcast_in_dim3A_585 : vector<256x1xf32> to vector<256x1024xf32>
    %add3A_589 = arith.addf %add3A_588, %dot_general3A_587 : vector<256x1024xf32>
    %add3A_590 = vector.broadcast %reshape3A : vector<1x1024xf32> to vector<256x1024xf32>
    %add3A_591 = arith.addf %add3A_589, %add3A_590 : vector<256x1024xf32>
    %max3A_592 = arith.constant 9.99999996E-13 : f32
    %max3A_593 = vector.broadcast %max3A_592 : f32 to vector<256x1024xf32>
    %max3A_594 = arith.maximumf %add3A_591, %max3A_593 : vector<256x1024xf32>
    %sqrt3A_595 = math.sqrt %max3A_594 : vector<256x1024xf32>
    %reduce_min3A_596 = arith.constant dense<0x7F800000> : vector<256xf32>
    %reduce_min3A_597 = vector.multi_reduction <minimumf>, %sqrt3A_595, %reduce_min3A_596 [1] : vector<256x1024xf32> to vector<256xf32>
    %broadcast_in_dim3A_598 = vector.shape_cast %reduce_min3A_597 : vector<256xf32> to vector<256x1xf32>
    %eq3A_599 = vector.broadcast %broadcast_in_dim3A_598 : vector<256x1xf32> to vector<256x1024xf32>
    %eq3A_600 = arith.cmpf oeq, %sqrt3A_595, %eq3A_599 : vector<256x1024xf32>
    %jit3A_601 = arith.constant 1024 : i32
    %broadcast_in_dim3A_602 = vector.broadcast %jit3A_601 : i32 to vector<256x1024xi32>
    %select_n3A_603 = arith.select %eq3A_600, %iota3A, %broadcast_in_dim3A_602 : vector<256x1024xi1>, vector<256x1024xi32>
    %reduce_min3A_604 = arith.constant dense<2147483647> : vector<256xi32>
    %reduce_min3A_605 = vector.multi_reduction <minsi>, %select_n3A_603, %reduce_min3A_604 [1] : vector<256x1024xi32> to vector<256xi32>
    %broadcast_in_dim3A_606 = vector.shape_cast %reduce_min3A_605 : vector<256xi32> to vector<256x1xi32>
    %eq3A_607 = vector.broadcast %broadcast_in_dim3A_606 : vector<256x1xi32> to vector<256x1024xi32>
    %eq3A_608 = arith.cmpi eq, %iota3A, %eq3A_607 : vector<256x1024xi32>
    %convert_element_type3A_609 = arith.extui %eq3A_608 : vector<256x1024xi1> to vector<256x1024xi32>
    %convert_element_type3A_610 = arith.sitofp %convert_element_type3A_609 : vector<256x1024xi32> to vector<256x1024xf32>
    %dot_general3A_611 = arith.constant dense<0.000000e+00> : vector<256x256xf32>
    %dot_general3A_612 = tpu.matmul %convert_element_type3A_610, %get3A_1, %dot_general3A_611 {dimension_numbers = #tpu.dot_dimension_numbers<[1], [0], [0], [1], [0, 0, 1, 1], [], []>, transpose_lhs_hint = false} : vector<256x1024xf32>, vector<1024x256xf32>, vector<256x256xf32> -> vector<256x256xf32>
    %mul3A_613 = arith.mulf %add3A_581, %add3A_581 : vector<256x256xf32>
    %reduce_sum3A_614 = arith.constant dense<0.000000e+00> : vector<256xf32>
    %reduce_sum3A_615 = vector.multi_reduction <add>, %mul3A_613, %reduce_sum3A_614 [1] : vector<256x256xf32> to vector<256xf32>
    %broadcast_in_dim3A_616 = vector.shape_cast %reduce_sum3A_615 : vector<256xf32> to vector<256x1xf32>
    %dot_general3A_617 = arith.constant dense<0.000000e+00> : vector<256x1024xf32>
    %dot_general3A_618 = tpu.matmul %add3A_581, %mul3A_17, %dot_general3A_617 {dimension_numbers = #tpu.dot_dimension_numbers<[1], [1], [0], [0], [0, 0, 1, 0], [], []>, transpose_lhs_hint = false} : vector<256x256xf32>, vector<1024x256xf32>, vector<256x1024xf32> -> vector<256x1024xf32>
    %add3A_619 = vector.broadcast %broadcast_in_dim3A_616 : vector<256x1xf32> to vector<256x1024xf32>
    %add3A_620 = arith.addf %add3A_619, %dot_general3A_618 : vector<256x1024xf32>
    %add3A_621 = vector.broadcast %reshape3A : vector<1x1024xf32> to vector<256x1024xf32>
    %add3A_622 = arith.addf %add3A_620, %add3A_621 : vector<256x1024xf32>
    %max3A_623 = arith.constant 9.99999996E-13 : f32
    %max3A_624 = vector.broadcast %max3A_623 : f32 to vector<256x1024xf32>
    %max3A_625 = arith.maximumf %add3A_622, %max3A_624 : vector<256x1024xf32>
    %sqrt3A_626 = math.sqrt %max3A_625 : vector<256x1024xf32>
    %reduce_min3A_627 = arith.constant dense<0x7F800000> : vector<256xf32>
    %reduce_min3A_628 = vector.multi_reduction <minimumf>, %sqrt3A_626, %reduce_min3A_627 [1] : vector<256x1024xf32> to vector<256xf32>
    %broadcast_in_dim3A_629 = vector.shape_cast %reduce_min3A_628 : vector<256xf32> to vector<256x1xf32>
    %eq3A_630 = vector.broadcast %broadcast_in_dim3A_629 : vector<256x1xf32> to vector<256x1024xf32>
    %eq3A_631 = arith.cmpf oeq, %sqrt3A_626, %eq3A_630 : vector<256x1024xf32>
    %jit3A_632 = arith.constant 1024 : i32
    %broadcast_in_dim3A_633 = vector.broadcast %jit3A_632 : i32 to vector<256x1024xi32>
    %select_n3A_634 = arith.select %eq3A_631, %iota3A, %broadcast_in_dim3A_633 : vector<256x1024xi1>, vector<256x1024xi32>
    %reduce_min3A_635 = arith.constant dense<2147483647> : vector<256xi32>
    %reduce_min3A_636 = vector.multi_reduction <minsi>, %select_n3A_634, %reduce_min3A_635 [1] : vector<256x1024xi32> to vector<256xi32>
    %broadcast_in_dim3A_637 = vector.shape_cast %reduce_min3A_636 : vector<256xi32> to vector<256x1xi32>
    %eq3A_638 = vector.broadcast %broadcast_in_dim3A_637 : vector<256x1xi32> to vector<256x1024xi32>
    %eq3A_639 = arith.cmpi eq, %iota3A, %eq3A_638 : vector<256x1024xi32>
    %convert_element_type3A_640 = arith.extui %eq3A_639 : vector<256x1024xi1> to vector<256x1024xi32>
    %convert_element_type3A_641 = arith.sitofp %convert_element_type3A_640 : vector<256x1024xi32> to vector<256x1024xf32>
    %dot_general3A_642 = arith.constant dense<0.000000e+00> : vector<256x256xf32>
    %dot_general3A_643 = tpu.matmul %convert_element_type3A_641, %get3A_1, %dot_general3A_642 {dimension_numbers = #tpu.dot_dimension_numbers<[1], [0], [0], [1], [0, 0, 1, 1], [], []>, transpose_lhs_hint = false} : vector<256x1024xf32>, vector<1024x256xf32>, vector<256x256xf32> -> vector<256x256xf32>
    %swap3A_644 = arith.constant 0 : index
    %swap3A_645 = arith.constant 768 : index
    %swap3A_646 = vector.load %arg8[%swap3A_644, %swap3A_645] : memref<512x2048xf32, #tpu.memory_space<vmem>>, vector<256x256xf32>
    tpu.vector_store %arg8[%swap3A_644, %swap3A_645], %dot_general3A_612 {strides = array<i32>} : memref<512x2048xf32, #tpu.memory_space<vmem>>, vector<256x256xf32>,
    %swap3A_647 = arith.constant 256 : index
    %swap3A_648 = arith.constant 768 : index
    %swap3A_649 = vector.load %arg8[%swap3A_647, %swap3A_648] : memref<512x2048xf32, #tpu.memory_space<vmem>>, vector<256x256xf32>
    tpu.vector_store %arg8[%swap3A_647, %swap3A_648], %dot_general3A_643 {strides = array<i32>} : memref<512x2048xf32, #tpu.memory_space<vmem>>, vector<256x256xf32>,
    %dot_general3A_650 = arith.constant dense<0.000000e+00> : vector<256x768xf32>
    %dot_general3A_651 = tpu.matmul %dot_general3A_612, %get3A_4, %dot_general3A_650 {dimension_numbers = #tpu.dot_dimension_numbers<[1], [1], [0], [0], [0, 0, 1, 0], [], []>, transpose_lhs_hint = false} : vector<256x256xf32>, vector<768x256xf32>, vector<256x768xf32> -> vector<256x768xf32>
    %add3A_652 = vector.broadcast %get3A_10 : vector<1x768xf32> to vector<256x768xf32>
    %add3A_653 = arith.addf %dot_general3A_651, %add3A_652 : vector<256x768xf32>
    %dot_general3A_654 = arith.constant dense<0.000000e+00> : vector<256x768xf32>
    %dot_general3A_655 = tpu.matmul %add3A_544, %get3A_7, %dot_general3A_654 {dimension_numbers = #tpu.dot_dimension_numbers<[1], [1], [0], [0], [0, 0, 1, 0], [], []>, transpose_lhs_hint = false} : vector<256x256xf32>, vector<768x256xf32>, vector<256x768xf32> -> vector<256x768xf32>
    %add3A_656 = vector.broadcast %get3A_13 : vector<1x768xf32> to vector<256x768xf32>
    %add3A_657 = arith.addf %dot_general3A_655, %add3A_656 : vector<256x768xf32>
    %slice3A_658 = vector.extract_strided_slice %add3A_653 {offsets = [0, 0], sizes = [256, 256], strides = [1, 1]} : vector<256x768xf32> to vector<256x256xf32>
    %slice3A_659 = vector.extract_strided_slice %add3A_657 {offsets = [0, 0], sizes = [256, 256], strides = [1, 1]} : vector<256x768xf32> to vector<256x256xf32>
    %add3A_660 = arith.addf %slice3A_658, %slice3A_659 : vector<256x256xf32>
    %logistic3A_661 = arith.negf %add3A_660 : vector<256x256xf32>
    %logistic3A_662 = math.exp %logistic3A_661 : vector<256x256xf32>
    %logistic3A_663 = arith.constant 1.000000e+00 : f32
    %logistic3A_664 = vector.broadcast %logistic3A_663 : f32 to vector<256x256xf32>
    %logistic3A_665 = arith.addf %logistic3A_664, %logistic3A_662 : vector<256x256xf32>
    %logistic3A_666 = arith.divf %logistic3A_664, %logistic3A_665 : vector<256x256xf32>
    %slice3A_667 = vector.extract_strided_slice %add3A_653 {offsets = [0, 256], sizes = [256, 256], strides = [1, 1]} : vector<256x768xf32> to vector<256x256xf32>
    %slice3A_668 = vector.extract_strided_slice %add3A_657 {offsets = [0, 256], sizes = [256, 256], strides = [1, 1]} : vector<256x768xf32> to vector<256x256xf32>
    %add3A_669 = arith.addf %slice3A_667, %slice3A_668 : vector<256x256xf32>
    %logistic3A_670 = arith.negf %add3A_669 : vector<256x256xf32>
    %logistic3A_671 = math.exp %logistic3A_670 : vector<256x256xf32>
    %logistic3A_672 = arith.constant 1.000000e+00 : f32
    %logistic3A_673 = vector.broadcast %logistic3A_672 : f32 to vector<256x256xf32>
    %logistic3A_674 = arith.addf %logistic3A_673, %logistic3A_671 : vector<256x256xf32>
    %logistic3A_675 = arith.divf %logistic3A_673, %logistic3A_674 : vector<256x256xf32>
    %slice3A_676 = vector.extract_strided_slice %add3A_653 {offsets = [0, 512], sizes = [256, 256], strides = [1, 1]} : vector<256x768xf32> to vector<256x256xf32>
    %slice3A_677 = vector.extract_strided_slice %add3A_657 {offsets = [0, 512], sizes = [256, 256], strides = [1, 1]} : vector<256x768xf32> to vector<256x256xf32>
    %mul3A_678 = arith.mulf %logistic3A_666, %slice3A_677 : vector<256x256xf32>
    %add3A_679 = arith.addf %slice3A_676, %mul3A_678 : vector<256x256xf32>
    %tanh3A_680 = math.tanh %add3A_679 : vector<256x256xf32>
    %sub3A_681 = arith.constant 1.000000e+00 : f32
    %sub3A_682 = vector.broadcast %sub3A_681 : f32 to vector<256x256xf32>
    %sub3A_683 = arith.subf %sub3A_682, %logistic3A_675 : vector<256x256xf32>
    %mul3A_684 = arith.mulf %sub3A_683, %tanh3A_680 : vector<256x256xf32>
    %mul3A_685 = arith.mulf %logistic3A_675, %add3A_544 : vector<256x256xf32>
    %add3A_686 = arith.addf %mul3A_684, %mul3A_685 : vector<256x256xf32>
    %dot_general3A_687 = arith.constant dense<0.000000e+00> : vector<256x768xf32>
    %dot_general3A_688 = tpu.matmul %dot_general3A_643, %get3A_4, %dot_general3A_687 {dimension_numbers = #tpu.dot_dimension_numbers<[1], [1], [0], [0], [0, 0, 1, 0], [], []>, transpose_lhs_hint = false} : vector<256x256xf32>, vector<768x256xf32>, vector<256x768xf32> -> vector<256x768xf32>
    %add3A_689 = vector.broadcast %get3A_10 : vector<1x768xf32> to vector<256x768xf32>
    %add3A_690 = arith.addf %dot_general3A_688, %add3A_689 : vector<256x768xf32>
    %dot_general3A_691 = arith.constant dense<0.000000e+00> : vector<256x768xf32>
    %dot_general3A_692 = tpu.matmul %add3A_581, %get3A_7, %dot_general3A_691 {dimension_numbers = #tpu.dot_dimension_numbers<[1], [1], [0], [0], [0, 0, 1, 0], [], []>, transpose_lhs_hint = false} : vector<256x256xf32>, vector<768x256xf32>, vector<256x768xf32> -> vector<256x768xf32>
    %add3A_693 = vector.broadcast %get3A_13 : vector<1x768xf32> to vector<256x768xf32>
    %add3A_694 = arith.addf %dot_general3A_692, %add3A_693 : vector<256x768xf32>
    %slice3A_695 = vector.extract_strided_slice %add3A_690 {offsets = [0, 0], sizes = [256, 256], strides = [1, 1]} : vector<256x768xf32> to vector<256x256xf32>
    %slice3A_696 = vector.extract_strided_slice %add3A_694 {offsets = [0, 0], sizes = [256, 256], strides = [1, 1]} : vector<256x768xf32> to vector<256x256xf32>
    %add3A_697 = arith.addf %slice3A_695, %slice3A_696 : vector<256x256xf32>
    %logistic3A_698 = arith.negf %add3A_697 : vector<256x256xf32>
    %logistic3A_699 = math.exp %logistic3A_698 : vector<256x256xf32>
    %logistic3A_700 = arith.constant 1.000000e+00 : f32
    %logistic3A_701 = vector.broadcast %logistic3A_700 : f32 to vector<256x256xf32>
    %logistic3A_702 = arith.addf %logistic3A_701, %logistic3A_699 : vector<256x256xf32>
    %logistic3A_703 = arith.divf %logistic3A_701, %logistic3A_702 : vector<256x256xf32>
    %slice3A_704 = vector.extract_strided_slice %add3A_690 {offsets = [0, 256], sizes = [256, 256], strides = [1, 1]} : vector<256x768xf32> to vector<256x256xf32>
    %slice3A_705 = vector.extract_strided_slice %add3A_694 {offsets = [0, 256], sizes = [256, 256], strides = [1, 1]} : vector<256x768xf32> to vector<256x256xf32>
    %add3A_706 = arith.addf %slice3A_704, %slice3A_705 : vector<256x256xf32>
    %logistic3A_707 = arith.negf %add3A_706 : vector<256x256xf32>
    %logistic3A_708 = math.exp %logistic3A_707 : vector<256x256xf32>
    %logistic3A_709 = arith.constant 1.000000e+00 : f32
    %logistic3A_710 = vector.broadcast %logistic3A_709 : f32 to vector<256x256xf32>
    %logistic3A_711 = arith.addf %logistic3A_710, %logistic3A_708 : vector<256x256xf32>
    %logistic3A_712 = arith.divf %logistic3A_710, %logistic3A_711 : vector<256x256xf32>
    %slice3A_713 = vector.extract_strided_slice %add3A_690 {offsets = [0, 512], sizes = [256, 256], strides = [1, 1]} : vector<256x768xf32> to vector<256x256xf32>
    %slice3A_714 = vector.extract_strided_slice %add3A_694 {offsets = [0, 512], sizes = [256, 256], strides = [1, 1]} : vector<256x768xf32> to vector<256x256xf32>
    %mul3A_715 = arith.mulf %logistic3A_703, %slice3A_714 : vector<256x256xf32>
    %add3A_716 = arith.addf %slice3A_713, %mul3A_715 : vector<256x256xf32>
    %tanh3A_717 = math.tanh %add3A_716 : vector<256x256xf32>
    %sub3A_718 = arith.constant 1.000000e+00 : f32
    %sub3A_719 = vector.broadcast %sub3A_718 : f32 to vector<256x256xf32>
    %sub3A_720 = arith.subf %sub3A_719, %logistic3A_712 : vector<256x256xf32>
    %mul3A_721 = arith.mulf %sub3A_720, %tanh3A_717 : vector<256x256xf32>
    %mul3A_722 = arith.mulf %logistic3A_712, %add3A_581 : vector<256x256xf32>
    %add3A_723 = arith.addf %mul3A_721, %mul3A_722 : vector<256x256xf32>
    %mul3A_724 = arith.mulf %add3A_686, %add3A_686 : vector<256x256xf32>
    %reduce_sum3A_725 = arith.constant dense<0.000000e+00> : vector<256xf32>
    %reduce_sum3A_726 = vector.multi_reduction <add>, %mul3A_724, %reduce_sum3A_725 [1] : vector<256x256xf32> to vector<256xf32>
    %broadcast_in_dim3A_727 = vector.shape_cast %reduce_sum3A_726 : vector<256xf32> to vector<256x1xf32>
    %dot_general3A_728 = arith.constant dense<0.000000e+00> : vector<256x1024xf32>
    %dot_general3A_729 = tpu.matmul %add3A_686, %mul3A_17, %dot_general3A_728 {dimension_numbers = #tpu.dot_dimension_numbers<[1], [1], [0], [0], [0, 0, 1, 0], [], []>, transpose_lhs_hint = false} : vector<256x256xf32>, vector<1024x256xf32>, vector<256x1024xf32> -> vector<256x1024xf32>
    %add3A_730 = vector.broadcast %broadcast_in_dim3A_727 : vector<256x1xf32> to vector<256x1024xf32>
    %add3A_731 = arith.addf %add3A_730, %dot_general3A_729 : vector<256x1024xf32>
    %add3A_732 = vector.broadcast %reshape3A : vector<1x1024xf32> to vector<256x1024xf32>
    %add3A_733 = arith.addf %add3A_731, %add3A_732 : vector<256x1024xf32>
    %max3A_734 = arith.constant 9.99999996E-13 : f32
    %max3A_735 = vector.broadcast %max3A_734 : f32 to vector<256x1024xf32>
    %max3A_736 = arith.maximumf %add3A_733, %max3A_735 : vector<256x1024xf32>
    %sqrt3A_737 = math.sqrt %max3A_736 : vector<256x1024xf32>
    %reduce_min3A_738 = arith.constant dense<0x7F800000> : vector<256xf32>
    %reduce_min3A_739 = vector.multi_reduction <minimumf>, %sqrt3A_737, %reduce_min3A_738 [1] : vector<256x1024xf32> to vector<256xf32>
    %broadcast_in_dim3A_740 = vector.shape_cast %reduce_min3A_739 : vector<256xf32> to vector<256x1xf32>
    %eq3A_741 = vector.broadcast %broadcast_in_dim3A_740 : vector<256x1xf32> to vector<256x1024xf32>
    %eq3A_742 = arith.cmpf oeq, %sqrt3A_737, %eq3A_741 : vector<256x1024xf32>
    %jit3A_743 = arith.constant 1024 : i32
    %broadcast_in_dim3A_744 = vector.broadcast %jit3A_743 : i32 to vector<256x1024xi32>
    %select_n3A_745 = arith.select %eq3A_742, %iota3A, %broadcast_in_dim3A_744 : vector<256x1024xi1>, vector<256x1024xi32>
    %reduce_min3A_746 = arith.constant dense<2147483647> : vector<256xi32>
    %reduce_min3A_747 = vector.multi_reduction <minsi>, %select_n3A_745, %reduce_min3A_746 [1] : vector<256x1024xi32> to vector<256xi32>
    %broadcast_in_dim3A_748 = vector.shape_cast %reduce_min3A_747 : vector<256xi32> to vector<256x1xi32>
    %eq3A_749 = vector.broadcast %broadcast_in_dim3A_748 : vector<256x1xi32> to vector<256x1024xi32>
    %eq3A_750 = arith.cmpi eq, %iota3A, %eq3A_749 : vector<256x1024xi32>
    %convert_element_type3A_751 = arith.extui %eq3A_750 : vector<256x1024xi1> to vector<256x1024xi32>
    %convert_element_type3A_752 = arith.sitofp %convert_element_type3A_751 : vector<256x1024xi32> to vector<256x1024xf32>
    %dot_general3A_753 = arith.constant dense<0.000000e+00> : vector<256x256xf32>
    %dot_general3A_754 = tpu.matmul %convert_element_type3A_752, %get3A_1, %dot_general3A_753 {dimension_numbers = #tpu.dot_dimension_numbers<[1], [0], [0], [1], [0, 0, 1, 1], [], []>, transpose_lhs_hint = false} : vector<256x1024xf32>, vector<1024x256xf32>, vector<256x256xf32> -> vector<256x256xf32>
    %mul3A_755 = arith.mulf %add3A_723, %add3A_723 : vector<256x256xf32>
    %reduce_sum3A_756 = arith.constant dense<0.000000e+00> : vector<256xf32>
    %reduce_sum3A_757 = vector.multi_reduction <add>, %mul3A_755, %reduce_sum3A_756 [1] : vector<256x256xf32> to vector<256xf32>
    %broadcast_in_dim3A_758 = vector.shape_cast %reduce_sum3A_757 : vector<256xf32> to vector<256x1xf32>
    %dot_general3A_759 = arith.constant dense<0.000000e+00> : vector<256x1024xf32>
    %dot_general3A_760 = tpu.matmul %add3A_723, %mul3A_17, %dot_general3A_759 {dimension_numbers = #tpu.dot_dimension_numbers<[1], [1], [0], [0], [0, 0, 1, 0], [], []>, transpose_lhs_hint = false} : vector<256x256xf32>, vector<1024x256xf32>, vector<256x1024xf32> -> vector<256x1024xf32>
    %add3A_761 = vector.broadcast %broadcast_in_dim3A_758 : vector<256x1xf32> to vector<256x1024xf32>
    %add3A_762 = arith.addf %add3A_761, %dot_general3A_760 : vector<256x1024xf32>
    %add3A_763 = vector.broadcast %reshape3A : vector<1x1024xf32> to vector<256x1024xf32>
    %add3A_764 = arith.addf %add3A_762, %add3A_763 : vector<256x1024xf32>
    %max3A_765 = arith.constant 9.99999996E-13 : f32
    %max3A_766 = vector.broadcast %max3A_765 : f32 to vector<256x1024xf32>
    %max3A_767 = arith.maximumf %add3A_764, %max3A_766 : vector<256x1024xf32>
    %sqrt3A_768 = math.sqrt %max3A_767 : vector<256x1024xf32>
    %reduce_min3A_769 = arith.constant dense<0x7F800000> : vector<256xf32>
    %reduce_min3A_770 = vector.multi_reduction <minimumf>, %sqrt3A_768, %reduce_min3A_769 [1] : vector<256x1024xf32> to vector<256xf32>
    %broadcast_in_dim3A_771 = vector.shape_cast %reduce_min3A_770 : vector<256xf32> to vector<256x1xf32>
    %eq3A_772 = vector.broadcast %broadcast_in_dim3A_771 : vector<256x1xf32> to vector<256x1024xf32>
    %eq3A_773 = arith.cmpf oeq, %sqrt3A_768, %eq3A_772 : vector<256x1024xf32>
    %jit3A_774 = arith.constant 1024 : i32
    %broadcast_in_dim3A_775 = vector.broadcast %jit3A_774 : i32 to vector<256x1024xi32>
    %select_n3A_776 = arith.select %eq3A_773, %iota3A, %broadcast_in_dim3A_775 : vector<256x1024xi1>, vector<256x1024xi32>
    %reduce_min3A_777 = arith.constant dense<2147483647> : vector<256xi32>
    %reduce_min3A_778 = vector.multi_reduction <minsi>, %select_n3A_776, %reduce_min3A_777 [1] : vector<256x1024xi32> to vector<256xi32>
    %broadcast_in_dim3A_779 = vector.shape_cast %reduce_min3A_778 : vector<256xi32> to vector<256x1xi32>
    %eq3A_780 = vector.broadcast %broadcast_in_dim3A_779 : vector<256x1xi32> to vector<256x1024xi32>
    %eq3A_781 = arith.cmpi eq, %iota3A, %eq3A_780 : vector<256x1024xi32>
    %convert_element_type3A_782 = arith.extui %eq3A_781 : vector<256x1024xi1> to vector<256x1024xi32>
    %convert_element_type3A_783 = arith.sitofp %convert_element_type3A_782 : vector<256x1024xi32> to vector<256x1024xf32>
    %dot_general3A_784 = arith.constant dense<0.000000e+00> : vector<256x256xf32>
    %dot_general3A_785 = tpu.matmul %convert_element_type3A_783, %get3A_1, %dot_general3A_784 {dimension_numbers = #tpu.dot_dimension_numbers<[1], [0], [0], [1], [0, 0, 1, 1], [], []>, transpose_lhs_hint = false} : vector<256x1024xf32>, vector<1024x256xf32>, vector<256x256xf32> -> vector<256x256xf32>
    %swap3A_786 = arith.constant 0 : index
    %swap3A_787 = arith.constant 1024 : index
    %swap3A_788 = vector.load %arg8[%swap3A_786, %swap3A_787] : memref<512x2048xf32, #tpu.memory_space<vmem>>, vector<256x256xf32>
    tpu.vector_store %arg8[%swap3A_786, %swap3A_787], %dot_general3A_754 {strides = array<i32>} : memref<512x2048xf32, #tpu.memory_space<vmem>>, vector<256x256xf32>,
    %swap3A_789 = arith.constant 256 : index
    %swap3A_790 = arith.constant 1024 : index
    %swap3A_791 = vector.load %arg8[%swap3A_789, %swap3A_790] : memref<512x2048xf32, #tpu.memory_space<vmem>>, vector<256x256xf32>
    tpu.vector_store %arg8[%swap3A_789, %swap3A_790], %dot_general3A_785 {strides = array<i32>} : memref<512x2048xf32, #tpu.memory_space<vmem>>, vector<256x256xf32>,
    %dot_general3A_792 = arith.constant dense<0.000000e+00> : vector<256x768xf32>
    %dot_general3A_793 = tpu.matmul %dot_general3A_754, %get3A_4, %dot_general3A_792 {dimension_numbers = #tpu.dot_dimension_numbers<[1], [1], [0], [0], [0, 0, 1, 0], [], []>, transpose_lhs_hint = false} : vector<256x256xf32>, vector<768x256xf32>, vector<256x768xf32> -> vector<256x768xf32>
    %add3A_794 = vector.broadcast %get3A_10 : vector<1x768xf32> to vector<256x768xf32>
    %add3A_795 = arith.addf %dot_general3A_793, %add3A_794 : vector<256x768xf32>
    %dot_general3A_796 = arith.constant dense<0.000000e+00> : vector<256x768xf32>
    %dot_general3A_797 = tpu.matmul %add3A_686, %get3A_7, %dot_general3A_796 {dimension_numbers = #tpu.dot_dimension_numbers<[1], [1], [0], [0], [0, 0, 1, 0], [], []>, transpose_lhs_hint = false} : vector<256x256xf32>, vector<768x256xf32>, vector<256x768xf32> -> vector<256x768xf32>
    %add3A_798 = vector.broadcast %get3A_13 : vector<1x768xf32> to vector<256x768xf32>
    %add3A_799 = arith.addf %dot_general3A_797, %add3A_798 : vector<256x768xf32>
    %slice3A_800 = vector.extract_strided_slice %add3A_795 {offsets = [0, 0], sizes = [256, 256], strides = [1, 1]} : vector<256x768xf32> to vector<256x256xf32>
    %slice3A_801 = vector.extract_strided_slice %add3A_799 {offsets = [0, 0], sizes = [256, 256], strides = [1, 1]} : vector<256x768xf32> to vector<256x256xf32>
    %add3A_802 = arith.addf %slice3A_800, %slice3A_801 : vector<256x256xf32>
    %logistic3A_803 = arith.negf %add3A_802 : vector<256x256xf32>
    %logistic3A_804 = math.exp %logistic3A_803 : vector<256x256xf32>
    %logistic3A_805 = arith.constant 1.000000e+00 : f32
    %logistic3A_806 = vector.broadcast %logistic3A_805 : f32 to vector<256x256xf32>
    %logistic3A_807 = arith.addf %logistic3A_806, %logistic3A_804 : vector<256x256xf32>
    %logistic3A_808 = arith.divf %logistic3A_806, %logistic3A_807 : vector<256x256xf32>
    %slice3A_809 = vector.extract_strided_slice %add3A_795 {offsets = [0, 256], sizes = [256, 256], strides = [1, 1]} : vector<256x768xf32> to vector<256x256xf32>
    %slice3A_810 = vector.extract_strided_slice %add3A_799 {offsets = [0, 256], sizes = [256, 256], strides = [1, 1]} : vector<256x768xf32> to vector<256x256xf32>
    %add3A_811 = arith.addf %slice3A_809, %slice3A_810 : vector<256x256xf32>
    %logistic3A_812 = arith.negf %add3A_811 : vector<256x256xf32>
    %logistic3A_813 = math.exp %logistic3A_812 : vector<256x256xf32>
    %logistic3A_814 = arith.constant 1.000000e+00 : f32
    %logistic3A_815 = vector.broadcast %logistic3A_814 : f32 to vector<256x256xf32>
    %logistic3A_816 = arith.addf %logistic3A_815, %logistic3A_813 : vector<256x256xf32>
    %logistic3A_817 = arith.divf %logistic3A_815, %logistic3A_816 : vector<256x256xf32>
    %slice3A_818 = vector.extract_strided_slice %add3A_795 {offsets = [0, 512], sizes = [256, 256], strides = [1, 1]} : vector<256x768xf32> to vector<256x256xf32>
    %slice3A_819 = vector.extract_strided_slice %add3A_799 {offsets = [0, 512], sizes = [256, 256], strides = [1, 1]} : vector<256x768xf32> to vector<256x256xf32>
    %mul3A_820 = arith.mulf %logistic3A_808, %slice3A_819 : vector<256x256xf32>
    %add3A_821 = arith.addf %slice3A_818, %mul3A_820 : vector<256x256xf32>
    %tanh3A_822 = math.tanh %add3A_821 : vector<256x256xf32>
    %sub3A_823 = arith.constant 1.000000e+00 : f32
    %sub3A_824 = vector.broadcast %sub3A_823 : f32 to vector<256x256xf32>
    %sub3A_825 = arith.subf %sub3A_824, %logistic3A_817 : vector<256x256xf32>
    %mul3A_826 = arith.mulf %sub3A_825, %tanh3A_822 : vector<256x256xf32>
    %mul3A_827 = arith.mulf %logistic3A_817, %add3A_686 : vector<256x256xf32>
    %add3A_828 = arith.addf %mul3A_826, %mul3A_827 : vector<256x256xf32>
    %dot_general3A_829 = arith.constant dense<0.000000e+00> : vector<256x768xf32>
    %dot_general3A_830 = tpu.matmul %dot_general3A_785, %get3A_4, %dot_general3A_829 {dimension_numbers = #tpu.dot_dimension_numbers<[1], [1], [0], [0], [0, 0, 1, 0], [], []>, transpose_lhs_hint = false} : vector<256x256xf32>, vector<768x256xf32>, vector<256x768xf32> -> vector<256x768xf32>
    %add3A_831 = vector.broadcast %get3A_10 : vector<1x768xf32> to vector<256x768xf32>
    %add3A_832 = arith.addf %dot_general3A_830, %add3A_831 : vector<256x768xf32>
    %dot_general3A_833 = arith.constant dense<0.000000e+00> : vector<256x768xf32>
    %dot_general3A_834 = tpu.matmul %add3A_723, %get3A_7, %dot_general3A_833 {dimension_numbers = #tpu.dot_dimension_numbers<[1], [1], [0], [0], [0, 0, 1, 0], [], []>, transpose_lhs_hint = false} : vector<256x256xf32>, vector<768x256xf32>, vector<256x768xf32> -> vector<256x768xf32>
    %add3A_835 = vector.broadcast %get3A_13 : vector<1x768xf32> to vector<256x768xf32>
    %add3A_836 = arith.addf %dot_general3A_834, %add3A_835 : vector<256x768xf32>
    %slice3A_837 = vector.extract_strided_slice %add3A_832 {offsets = [0, 0], sizes = [256, 256], strides = [1, 1]} : vector<256x768xf32> to vector<256x256xf32>
    %slice3A_838 = vector.extract_strided_slice %add3A_836 {offsets = [0, 0], sizes = [256, 256], strides = [1, 1]} : vector<256x768xf32> to vector<256x256xf32>
    %add3A_839 = arith.addf %slice3A_837, %slice3A_838 : vector<256x256xf32>
    %logistic3A_840 = arith.negf %add3A_839 : vector<256x256xf32>
    %logistic3A_841 = math.exp %logistic3A_840 : vector<256x256xf32>
    %logistic3A_842 = arith.constant 1.000000e+00 : f32
    %logistic3A_843 = vector.broadcast %logistic3A_842 : f32 to vector<256x256xf32>
    %logistic3A_844 = arith.addf %logistic3A_843, %logistic3A_841 : vector<256x256xf32>
    %logistic3A_845 = arith.divf %logistic3A_843, %logistic3A_844 : vector<256x256xf32>
    %slice3A_846 = vector.extract_strided_slice %add3A_832 {offsets = [0, 256], sizes = [256, 256], strides = [1, 1]} : vector<256x768xf32> to vector<256x256xf32>
    %slice3A_847 = vector.extract_strided_slice %add3A_836 {offsets = [0, 256], sizes = [256, 256], strides = [1, 1]} : vector<256x768xf32> to vector<256x256xf32>
    %add3A_848 = arith.addf %slice3A_846, %slice3A_847 : vector<256x256xf32>
    %logistic3A_849 = arith.negf %add3A_848 : vector<256x256xf32>
    %logistic3A_850 = math.exp %logistic3A_849 : vector<256x256xf32>
    %logistic3A_851 = arith.constant 1.000000e+00 : f32
    %logistic3A_852 = vector.broadcast %logistic3A_851 : f32 to vector<256x256xf32>
    %logistic3A_853 = arith.addf %logistic3A_852, %logistic3A_850 : vector<256x256xf32>
    %logistic3A_854 = arith.divf %logistic3A_852, %logistic3A_853 : vector<256x256xf32>
    %slice3A_855 = vector.extract_strided_slice %add3A_832 {offsets = [0, 512], sizes = [256, 256], strides = [1, 1]} : vector<256x768xf32> to vector<256x256xf32>
    %slice3A_856 = vector.extract_strided_slice %add3A_836 {offsets = [0, 512], sizes = [256, 256], strides = [1, 1]} : vector<256x768xf32> to vector<256x256xf32>
    %mul3A_857 = arith.mulf %logistic3A_845, %slice3A_856 : vector<256x256xf32>
    %add3A_858 = arith.addf %slice3A_855, %mul3A_857 : vector<256x256xf32>
    %tanh3A_859 = math.tanh %add3A_858 : vector<256x256xf32>
    %sub3A_860 = arith.constant 1.000000e+00 : f32
    %sub3A_861 = vector.broadcast %sub3A_860 : f32 to vector<256x256xf32>
    %sub3A_862 = arith.subf %sub3A_861, %logistic3A_854 : vector<256x256xf32>
    %mul3A_863 = arith.mulf %sub3A_862, %tanh3A_859 : vector<256x256xf32>
    %mul3A_864 = arith.mulf %logistic3A_854, %add3A_723 : vector<256x256xf32>
    %add3A_865 = arith.addf %mul3A_863, %mul3A_864 : vector<256x256xf32>
    %mul3A_866 = arith.mulf %add3A_828, %add3A_828 : vector<256x256xf32>
    %reduce_sum3A_867 = arith.constant dense<0.000000e+00> : vector<256xf32>
    %reduce_sum3A_868 = vector.multi_reduction <add>, %mul3A_866, %reduce_sum3A_867 [1] : vector<256x256xf32> to vector<256xf32>
    %broadcast_in_dim3A_869 = vector.shape_cast %reduce_sum3A_868 : vector<256xf32> to vector<256x1xf32>
    %dot_general3A_870 = arith.constant dense<0.000000e+00> : vector<256x1024xf32>
    %dot_general3A_871 = tpu.matmul %add3A_828, %mul3A_17, %dot_general3A_870 {dimension_numbers = #tpu.dot_dimension_numbers<[1], [1], [0], [0], [0, 0, 1, 0], [], []>, transpose_lhs_hint = false} : vector<256x256xf32>, vector<1024x256xf32>, vector<256x1024xf32> -> vector<256x1024xf32>
    %add3A_872 = vector.broadcast %broadcast_in_dim3A_869 : vector<256x1xf32> to vector<256x1024xf32>
    %add3A_873 = arith.addf %add3A_872, %dot_general3A_871 : vector<256x1024xf32>
    %add3A_874 = vector.broadcast %reshape3A : vector<1x1024xf32> to vector<256x1024xf32>
    %add3A_875 = arith.addf %add3A_873, %add3A_874 : vector<256x1024xf32>
    %max3A_876 = arith.constant 9.99999996E-13 : f32
    %max3A_877 = vector.broadcast %max3A_876 : f32 to vector<256x1024xf32>
    %max3A_878 = arith.maximumf %add3A_875, %max3A_877 : vector<256x1024xf32>
    %sqrt3A_879 = math.sqrt %max3A_878 : vector<256x1024xf32>
    %reduce_min3A_880 = arith.constant dense<0x7F800000> : vector<256xf32>
    %reduce_min3A_881 = vector.multi_reduction <minimumf>, %sqrt3A_879, %reduce_min3A_880 [1] : vector<256x1024xf32> to vector<256xf32>
    %broadcast_in_dim3A_882 = vector.shape_cast %reduce_min3A_881 : vector<256xf32> to vector<256x1xf32>
    %eq3A_883 = vector.broadcast %broadcast_in_dim3A_882 : vector<256x1xf32> to vector<256x1024xf32>
    %eq3A_884 = arith.cmpf oeq, %sqrt3A_879, %eq3A_883 : vector<256x1024xf32>
    %jit3A_885 = arith.constant 1024 : i32
    %broadcast_in_dim3A_886 = vector.broadcast %jit3A_885 : i32 to vector<256x1024xi32>
    %select_n3A_887 = arith.select %eq3A_884, %iota3A, %broadcast_in_dim3A_886 : vector<256x1024xi1>, vector<256x1024xi32>
    %reduce_min3A_888 = arith.constant dense<2147483647> : vector<256xi32>
    %reduce_min3A_889 = vector.multi_reduction <minsi>, %select_n3A_887, %reduce_min3A_888 [1] : vector<256x1024xi32> to vector<256xi32>
    %broadcast_in_dim3A_890 = vector.shape_cast %reduce_min3A_889 : vector<256xi32> to vector<256x1xi32>
    %eq3A_891 = vector.broadcast %broadcast_in_dim3A_890 : vector<256x1xi32> to vector<256x1024xi32>
    %eq3A_892 = arith.cmpi eq, %iota3A, %eq3A_891 : vector<256x1024xi32>
    %convert_element_type3A_893 = arith.extui %eq3A_892 : vector<256x1024xi1> to vector<256x1024xi32>
    %convert_element_type3A_894 = arith.sitofp %convert_element_type3A_893 : vector<256x1024xi32> to vector<256x1024xf32>
    %dot_general3A_895 = arith.constant dense<0.000000e+00> : vector<256x256xf32>
    %dot_general3A_896 = tpu.matmul %convert_element_type3A_894, %get3A_1, %dot_general3A_895 {dimension_numbers = #tpu.dot_dimension_numbers<[1], [0], [0], [1], [0, 0, 1, 1], [], []>, transpose_lhs_hint = false} : vector<256x1024xf32>, vector<1024x256xf32>, vector<256x256xf32> -> vector<256x256xf32>
    %mul3A_897 = arith.mulf %add3A_865, %add3A_865 : vector<256x256xf32>
    %reduce_sum3A_898 = arith.constant dense<0.000000e+00> : vector<256xf32>
    %reduce_sum3A_899 = vector.multi_reduction <add>, %mul3A_897, %reduce_sum3A_898 [1] : vector<256x256xf32> to vector<256xf32>
    %broadcast_in_dim3A_900 = vector.shape_cast %reduce_sum3A_899 : vector<256xf32> to vector<256x1xf32>
    %dot_general3A_901 = arith.constant dense<0.000000e+00> : vector<256x1024xf32>
    %dot_general3A_902 = tpu.matmul %add3A_865, %mul3A_17, %dot_general3A_901 {dimension_numbers = #tpu.dot_dimension_numbers<[1], [1], [0], [0], [0, 0, 1, 0], [], []>, transpose_lhs_hint = false} : vector<256x256xf32>, vector<1024x256xf32>, vector<256x1024xf32> -> vector<256x1024xf32>
    %add3A_903 = vector.broadcast %broadcast_in_dim3A_900 : vector<256x1xf32> to vector<256x1024xf32>
    %add3A_904 = arith.addf %add3A_903, %dot_general3A_902 : vector<256x1024xf32>
    %add3A_905 = vector.broadcast %reshape3A : vector<1x1024xf32> to vector<256x1024xf32>
    %add3A_906 = arith.addf %add3A_904, %add3A_905 : vector<256x1024xf32>
    %max3A_907 = arith.constant 9.99999996E-13 : f32
    %max3A_908 = vector.broadcast %max3A_907 : f32 to vector<256x1024xf32>
    %max3A_909 = arith.maximumf %add3A_906, %max3A_908 : vector<256x1024xf32>
    %sqrt3A_910 = math.sqrt %max3A_909 : vector<256x1024xf32>
    %reduce_min3A_911 = arith.constant dense<0x7F800000> : vector<256xf32>
    %reduce_min3A_912 = vector.multi_reduction <minimumf>, %sqrt3A_910, %reduce_min3A_911 [1] : vector<256x1024xf32> to vector<256xf32>
    %broadcast_in_dim3A_913 = vector.shape_cast %reduce_min3A_912 : vector<256xf32> to vector<256x1xf32>
    %eq3A_914 = vector.broadcast %broadcast_in_dim3A_913 : vector<256x1xf32> to vector<256x1024xf32>
    %eq3A_915 = arith.cmpf oeq, %sqrt3A_910, %eq3A_914 : vector<256x1024xf32>
    %jit3A_916 = arith.constant 1024 : i32
    %broadcast_in_dim3A_917 = vector.broadcast %jit3A_916 : i32 to vector<256x1024xi32>
    %select_n3A_918 = arith.select %eq3A_915, %iota3A, %broadcast_in_dim3A_917 : vector<256x1024xi1>, vector<256x1024xi32>
    %reduce_min3A_919 = arith.constant dense<2147483647> : vector<256xi32>
    %reduce_min3A_920 = vector.multi_reduction <minsi>, %select_n3A_918, %reduce_min3A_919 [1] : vector<256x1024xi32> to vector<256xi32>
    %broadcast_in_dim3A_921 = vector.shape_cast %reduce_min3A_920 : vector<256xi32> to vector<256x1xi32>
    %eq3A_922 = vector.broadcast %broadcast_in_dim3A_921 : vector<256x1xi32> to vector<256x1024xi32>
    %eq3A_923 = arith.cmpi eq, %iota3A, %eq3A_922 : vector<256x1024xi32>
    %convert_element_type3A_924 = arith.extui %eq3A_923 : vector<256x1024xi1> to vector<256x1024xi32>
    %convert_element_type3A_925 = arith.sitofp %convert_element_type3A_924 : vector<256x1024xi32> to vector<256x1024xf32>
    %dot_general3A_926 = arith.constant dense<0.000000e+00> : vector<256x256xf32>
    %dot_general3A_927 = tpu.matmul %convert_element_type3A_925, %get3A_1, %dot_general3A_926 {dimension_numbers = #tpu.dot_dimension_numbers<[1], [0], [0], [1], [0, 0, 1, 1], [], []>, transpose_lhs_hint = false} : vector<256x1024xf32>, vector<1024x256xf32>, vector<256x256xf32> -> vector<256x256xf32>
    %swap3A_928 = arith.constant 0 : index
    %swap3A_929 = arith.constant 1280 : index
    %swap3A_930 = vector.load %arg8[%swap3A_928, %swap3A_929] : memref<512x2048xf32, #tpu.memory_space<vmem>>, vector<256x256xf32>
    tpu.vector_store %arg8[%swap3A_928, %swap3A_929], %dot_general3A_896 {strides = array<i32>} : memref<512x2048xf32, #tpu.memory_space<vmem>>, vector<256x256xf32>,
    %swap3A_931 = arith.constant 256 : index
    %swap3A_932 = arith.constant 1280 : index
    %swap3A_933 = vector.load %arg8[%swap3A_931, %swap3A_932] : memref<512x2048xf32, #tpu.memory_space<vmem>>, vector<256x256xf32>
    tpu.vector_store %arg8[%swap3A_931, %swap3A_932], %dot_general3A_927 {strides = array<i32>} : memref<512x2048xf32, #tpu.memory_space<vmem>>, vector<256x256xf32>,
    %dot_general3A_934 = arith.constant dense<0.000000e+00> : vector<256x768xf32>
    %dot_general3A_935 = tpu.matmul %dot_general3A_896, %get3A_4, %dot_general3A_934 {dimension_numbers = #tpu.dot_dimension_numbers<[1], [1], [0], [0], [0, 0, 1, 0], [], []>, transpose_lhs_hint = false} : vector<256x256xf32>, vector<768x256xf32>, vector<256x768xf32> -> vector<256x768xf32>
    %add3A_936 = vector.broadcast %get3A_10 : vector<1x768xf32> to vector<256x768xf32>
    %add3A_937 = arith.addf %dot_general3A_935, %add3A_936 : vector<256x768xf32>
    %dot_general3A_938 = arith.constant dense<0.000000e+00> : vector<256x768xf32>
    %dot_general3A_939 = tpu.matmul %add3A_828, %get3A_7, %dot_general3A_938 {dimension_numbers = #tpu.dot_dimension_numbers<[1], [1], [0], [0], [0, 0, 1, 0], [], []>, transpose_lhs_hint = false} : vector<256x256xf32>, vector<768x256xf32>, vector<256x768xf32> -> vector<256x768xf32>
    %add3A_940 = vector.broadcast %get3A_13 : vector<1x768xf32> to vector<256x768xf32>
    %add3A_941 = arith.addf %dot_general3A_939, %add3A_940 : vector<256x768xf32>
    %slice3A_942 = vector.extract_strided_slice %add3A_937 {offsets = [0, 0], sizes = [256, 256], strides = [1, 1]} : vector<256x768xf32> to vector<256x256xf32>
    %slice3A_943 = vector.extract_strided_slice %add3A_941 {offsets = [0, 0], sizes = [256, 256], strides = [1, 1]} : vector<256x768xf32> to vector<256x256xf32>
    %add3A_944 = arith.addf %slice3A_942, %slice3A_943 : vector<256x256xf32>
    %logistic3A_945 = arith.negf %add3A_944 : vector<256x256xf32>
    %logistic3A_946 = math.exp %logistic3A_945 : vector<256x256xf32>
    %logistic3A_947 = arith.constant 1.000000e+00 : f32
    %logistic3A_948 = vector.broadcast %logistic3A_947 : f32 to vector<256x256xf32>
    %logistic3A_949 = arith.addf %logistic3A_948, %logistic3A_946 : vector<256x256xf32>
    %logistic3A_950 = arith.divf %logistic3A_948, %logistic3A_949 : vector<256x256xf32>
    %slice3A_951 = vector.extract_strided_slice %add3A_937 {offsets = [0, 256], sizes = [256, 256], strides = [1, 1]} : vector<256x768xf32> to vector<256x256xf32>
    %slice3A_952 = vector.extract_strided_slice %add3A_941 {offsets = [0, 256], sizes = [256, 256], strides = [1, 1]} : vector<256x768xf32> to vector<256x256xf32>
    %add3A_953 = arith.addf %slice3A_951, %slice3A_952 : vector<256x256xf32>
    %logistic3A_954 = arith.negf %add3A_953 : vector<256x256xf32>
    %logistic3A_955 = math.exp %logistic3A_954 : vector<256x256xf32>
    %logistic3A_956 = arith.constant 1.000000e+00 : f32
    %logistic3A_957 = vector.broadcast %logistic3A_956 : f32 to vector<256x256xf32>
    %logistic3A_958 = arith.addf %logistic3A_957, %logistic3A_955 : vector<256x256xf32>
    %logistic3A_959 = arith.divf %logistic3A_957, %logistic3A_958 : vector<256x256xf32>
    %slice3A_960 = vector.extract_strided_slice %add3A_937 {offsets = [0, 512], sizes = [256, 256], strides = [1, 1]} : vector<256x768xf32> to vector<256x256xf32>
    %slice3A_961 = vector.extract_strided_slice %add3A_941 {offsets = [0, 512], sizes = [256, 256], strides = [1, 1]} : vector<256x768xf32> to vector<256x256xf32>
    %mul3A_962 = arith.mulf %logistic3A_950, %slice3A_961 : vector<256x256xf32>
    %add3A_963 = arith.addf %slice3A_960, %mul3A_962 : vector<256x256xf32>
    %tanh3A_964 = math.tanh %add3A_963 : vector<256x256xf32>
    %sub3A_965 = arith.constant 1.000000e+00 : f32
    %sub3A_966 = vector.broadcast %sub3A_965 : f32 to vector<256x256xf32>
    %sub3A_967 = arith.subf %sub3A_966, %logistic3A_959 : vector<256x256xf32>
    %mul3A_968 = arith.mulf %sub3A_967, %tanh3A_964 : vector<256x256xf32>
    %mul3A_969 = arith.mulf %logistic3A_959, %add3A_828 : vector<256x256xf32>
    %add3A_970 = arith.addf %mul3A_968, %mul3A_969 : vector<256x256xf32>
    %dot_general3A_971 = arith.constant dense<0.000000e+00> : vector<256x768xf32>
    %dot_general3A_972 = tpu.matmul %dot_general3A_927, %get3A_4, %dot_general3A_971 {dimension_numbers = #tpu.dot_dimension_numbers<[1], [1], [0], [0], [0, 0, 1, 0], [], []>, transpose_lhs_hint = false} : vector<256x256xf32>, vector<768x256xf32>, vector<256x768xf32> -> vector<256x768xf32>
    %add3A_973 = vector.broadcast %get3A_10 : vector<1x768xf32> to vector<256x768xf32>
    %add3A_974 = arith.addf %dot_general3A_972, %add3A_973 : vector<256x768xf32>
    %dot_general3A_975 = arith.constant dense<0.000000e+00> : vector<256x768xf32>
    %dot_general3A_976 = tpu.matmul %add3A_865, %get3A_7, %dot_general3A_975 {dimension_numbers = #tpu.dot_dimension_numbers<[1], [1], [0], [0], [0, 0, 1, 0], [], []>, transpose_lhs_hint = false} : vector<256x256xf32>, vector<768x256xf32>, vector<256x768xf32> -> vector<256x768xf32>
    %add3A_977 = vector.broadcast %get3A_13 : vector<1x768xf32> to vector<256x768xf32>
    %add3A_978 = arith.addf %dot_general3A_976, %add3A_977 : vector<256x768xf32>
    %slice3A_979 = vector.extract_strided_slice %add3A_974 {offsets = [0, 0], sizes = [256, 256], strides = [1, 1]} : vector<256x768xf32> to vector<256x256xf32>
    %slice3A_980 = vector.extract_strided_slice %add3A_978 {offsets = [0, 0], sizes = [256, 256], strides = [1, 1]} : vector<256x768xf32> to vector<256x256xf32>
    %add3A_981 = arith.addf %slice3A_979, %slice3A_980 : vector<256x256xf32>
    %logistic3A_982 = arith.negf %add3A_981 : vector<256x256xf32>
    %logistic3A_983 = math.exp %logistic3A_982 : vector<256x256xf32>
    %logistic3A_984 = arith.constant 1.000000e+00 : f32
    %logistic3A_985 = vector.broadcast %logistic3A_984 : f32 to vector<256x256xf32>
    %logistic3A_986 = arith.addf %logistic3A_985, %logistic3A_983 : vector<256x256xf32>
    %logistic3A_987 = arith.divf %logistic3A_985, %logistic3A_986 : vector<256x256xf32>
    %slice3A_988 = vector.extract_strided_slice %add3A_974 {offsets = [0, 256], sizes = [256, 256], strides = [1, 1]} : vector<256x768xf32> to vector<256x256xf32>
    %slice3A_989 = vector.extract_strided_slice %add3A_978 {offsets = [0, 256], sizes = [256, 256], strides = [1, 1]} : vector<256x768xf32> to vector<256x256xf32>
    %add3A_990 = arith.addf %slice3A_988, %slice3A_989 : vector<256x256xf32>
    %logistic3A_991 = arith.negf %add3A_990 : vector<256x256xf32>
    %logistic3A_992 = math.exp %logistic3A_991 : vector<256x256xf32>
    %logistic3A_993 = arith.constant 1.000000e+00 : f32
    %logistic3A_994 = vector.broadcast %logistic3A_993 : f32 to vector<256x256xf32>
    %logistic3A_995 = arith.addf %logistic3A_994, %logistic3A_992 : vector<256x256xf32>
    %logistic3A_996 = arith.divf %logistic3A_994, %logistic3A_995 : vector<256x256xf32>
    %slice3A_997 = vector.extract_strided_slice %add3A_974 {offsets = [0, 512], sizes = [256, 256], strides = [1, 1]} : vector<256x768xf32> to vector<256x256xf32>
    %slice3A_998 = vector.extract_strided_slice %add3A_978 {offsets = [0, 512], sizes = [256, 256], strides = [1, 1]} : vector<256x768xf32> to vector<256x256xf32>
    %mul3A_999 = arith.mulf %logistic3A_987, %slice3A_998 : vector<256x256xf32>
    %add3A_1000 = arith.addf %slice3A_997, %mul3A_999 : vector<256x256xf32>
    %tanh3A_1001 = math.tanh %add3A_1000 : vector<256x256xf32>
    %sub3A_1002 = arith.constant 1.000000e+00 : f32
    %sub3A_1003 = vector.broadcast %sub3A_1002 : f32 to vector<256x256xf32>
    %sub3A_1004 = arith.subf %sub3A_1003, %logistic3A_996 : vector<256x256xf32>
    %mul3A_1005 = arith.mulf %sub3A_1004, %tanh3A_1001 : vector<256x256xf32>
    %mul3A_1006 = arith.mulf %logistic3A_996, %add3A_865 : vector<256x256xf32>
    %add3A_1007 = arith.addf %mul3A_1005, %mul3A_1006 : vector<256x256xf32>
    %mul3A_1008 = arith.mulf %add3A_970, %add3A_970 : vector<256x256xf32>
    %reduce_sum3A_1009 = arith.constant dense<0.000000e+00> : vector<256xf32>
    %reduce_sum3A_1010 = vector.multi_reduction <add>, %mul3A_1008, %reduce_sum3A_1009 [1] : vector<256x256xf32> to vector<256xf32>
    %broadcast_in_dim3A_1011 = vector.shape_cast %reduce_sum3A_1010 : vector<256xf32> to vector<256x1xf32>
    %dot_general3A_1012 = arith.constant dense<0.000000e+00> : vector<256x1024xf32>
    %dot_general3A_1013 = tpu.matmul %add3A_970, %mul3A_17, %dot_general3A_1012 {dimension_numbers = #tpu.dot_dimension_numbers<[1], [1], [0], [0], [0, 0, 1, 0], [], []>, transpose_lhs_hint = false} : vector<256x256xf32>, vector<1024x256xf32>, vector<256x1024xf32> -> vector<256x1024xf32>
    %add3A_1014 = vector.broadcast %broadcast_in_dim3A_1011 : vector<256x1xf32> to vector<256x1024xf32>
    %add3A_1015 = arith.addf %add3A_1014, %dot_general3A_1013 : vector<256x1024xf32>
    %add3A_1016 = vector.broadcast %reshape3A : vector<1x1024xf32> to vector<256x1024xf32>
    %add3A_1017 = arith.addf %add3A_1015, %add3A_1016 : vector<256x1024xf32>
    %max3A_1018 = arith.constant 9.99999996E-13 : f32
    %max3A_1019 = vector.broadcast %max3A_1018 : f32 to vector<256x1024xf32>
    %max3A_1020 = arith.maximumf %add3A_1017, %max3A_1019 : vector<256x1024xf32>
    %sqrt3A_1021 = math.sqrt %max3A_1020 : vector<256x1024xf32>
    %reduce_min3A_1022 = arith.constant dense<0x7F800000> : vector<256xf32>
    %reduce_min3A_1023 = vector.multi_reduction <minimumf>, %sqrt3A_1021, %reduce_min3A_1022 [1] : vector<256x1024xf32> to vector<256xf32>
    %broadcast_in_dim3A_1024 = vector.shape_cast %reduce_min3A_1023 : vector<256xf32> to vector<256x1xf32>
    %eq3A_1025 = vector.broadcast %broadcast_in_dim3A_1024 : vector<256x1xf32> to vector<256x1024xf32>
    %eq3A_1026 = arith.cmpf oeq, %sqrt3A_1021, %eq3A_1025 : vector<256x1024xf32>
    %jit3A_1027 = arith.constant 1024 : i32
    %broadcast_in_dim3A_1028 = vector.broadcast %jit3A_1027 : i32 to vector<256x1024xi32>
    %select_n3A_1029 = arith.select %eq3A_1026, %iota3A, %broadcast_in_dim3A_1028 : vector<256x1024xi1>, vector<256x1024xi32>
    %reduce_min3A_1030 = arith.constant dense<2147483647> : vector<256xi32>
    %reduce_min3A_1031 = vector.multi_reduction <minsi>, %select_n3A_1029, %reduce_min3A_1030 [1] : vector<256x1024xi32> to vector<256xi32>
    %broadcast_in_dim3A_1032 = vector.shape_cast %reduce_min3A_1031 : vector<256xi32> to vector<256x1xi32>
    %eq3A_1033 = vector.broadcast %broadcast_in_dim3A_1032 : vector<256x1xi32> to vector<256x1024xi32>
    %eq3A_1034 = arith.cmpi eq, %iota3A, %eq3A_1033 : vector<256x1024xi32>
    %convert_element_type3A_1035 = arith.extui %eq3A_1034 : vector<256x1024xi1> to vector<256x1024xi32>
    %convert_element_type3A_1036 = arith.sitofp %convert_element_type3A_1035 : vector<256x1024xi32> to vector<256x1024xf32>
    %dot_general3A_1037 = arith.constant dense<0.000000e+00> : vector<256x256xf32>
    %dot_general3A_1038 = tpu.matmul %convert_element_type3A_1036, %get3A_1, %dot_general3A_1037 {dimension_numbers = #tpu.dot_dimension_numbers<[1], [0], [0], [1], [0, 0, 1, 1], [], []>, transpose_lhs_hint = false} : vector<256x1024xf32>, vector<1024x256xf32>, vector<256x256xf32> -> vector<256x256xf32>
    %mul3A_1039 = arith.mulf %add3A_1007, %add3A_1007 : vector<256x256xf32>
    %reduce_sum3A_1040 = arith.constant dense<0.000000e+00> : vector<256xf32>
    %reduce_sum3A_1041 = vector.multi_reduction <add>, %mul3A_1039, %reduce_sum3A_1040 [1] : vector<256x256xf32> to vector<256xf32>
    %broadcast_in_dim3A_1042 = vector.shape_cast %reduce_sum3A_1041 : vector<256xf32> to vector<256x1xf32>
    %dot_general3A_1043 = arith.constant dense<0.000000e+00> : vector<256x1024xf32>
    %dot_general3A_1044 = tpu.matmul %add3A_1007, %mul3A_17, %dot_general3A_1043 {dimension_numbers = #tpu.dot_dimension_numbers<[1], [1], [0], [0], [0, 0, 1, 0], [], []>, transpose_lhs_hint = false} : vector<256x256xf32>, vector<1024x256xf32>, vector<256x1024xf32> -> vector<256x1024xf32>
    %add3A_1045 = vector.broadcast %broadcast_in_dim3A_1042 : vector<256x1xf32> to vector<256x1024xf32>
    %add3A_1046 = arith.addf %add3A_1045, %dot_general3A_1044 : vector<256x1024xf32>
    %add3A_1047 = vector.broadcast %reshape3A : vector<1x1024xf32> to vector<256x1024xf32>
    %add3A_1048 = arith.addf %add3A_1046, %add3A_1047 : vector<256x1024xf32>
    %max3A_1049 = arith.constant 9.99999996E-13 : f32
    %max3A_1050 = vector.broadcast %max3A_1049 : f32 to vector<256x1024xf32>
    %max3A_1051 = arith.maximumf %add3A_1048, %max3A_1050 : vector<256x1024xf32>
    %sqrt3A_1052 = math.sqrt %max3A_1051 : vector<256x1024xf32>
    %reduce_min3A_1053 = arith.constant dense<0x7F800000> : vector<256xf32>
    %reduce_min3A_1054 = vector.multi_reduction <minimumf>, %sqrt3A_1052, %reduce_min3A_1053 [1] : vector<256x1024xf32> to vector<256xf32>
    %broadcast_in_dim3A_1055 = vector.shape_cast %reduce_min3A_1054 : vector<256xf32> to vector<256x1xf32>
    %eq3A_1056 = vector.broadcast %broadcast_in_dim3A_1055 : vector<256x1xf32> to vector<256x1024xf32>
    %eq3A_1057 = arith.cmpf oeq, %sqrt3A_1052, %eq3A_1056 : vector<256x1024xf32>
    %jit3A_1058 = arith.constant 1024 : i32
    %broadcast_in_dim3A_1059 = vector.broadcast %jit3A_1058 : i32 to vector<256x1024xi32>
    %select_n3A_1060 = arith.select %eq3A_1057, %iota3A, %broadcast_in_dim3A_1059 : vector<256x1024xi1>, vector<256x1024xi32>
    %reduce_min3A_1061 = arith.constant dense<2147483647> : vector<256xi32>
    %reduce_min3A_1062 = vector.multi_reduction <minsi>, %select_n3A_1060, %reduce_min3A_1061 [1] : vector<256x1024xi32> to vector<256xi32>
    %broadcast_in_dim3A_1063 = vector.shape_cast %reduce_min3A_1062 : vector<256xi32> to vector<256x1xi32>
    %eq3A_1064 = vector.broadcast %broadcast_in_dim3A_1063 : vector<256x1xi32> to vector<256x1024xi32>
    %eq3A_1065 = arith.cmpi eq, %iota3A, %eq3A_1064 : vector<256x1024xi32>
    %convert_element_type3A_1066 = arith.extui %eq3A_1065 : vector<256x1024xi1> to vector<256x1024xi32>
    %convert_element_type3A_1067 = arith.sitofp %convert_element_type3A_1066 : vector<256x1024xi32> to vector<256x1024xf32>
    %dot_general3A_1068 = arith.constant dense<0.000000e+00> : vector<256x256xf32>
    %dot_general3A_1069 = tpu.matmul %convert_element_type3A_1067, %get3A_1, %dot_general3A_1068 {dimension_numbers = #tpu.dot_dimension_numbers<[1], [0], [0], [1], [0, 0, 1, 1], [], []>, transpose_lhs_hint = false} : vector<256x1024xf32>, vector<1024x256xf32>, vector<256x256xf32> -> vector<256x256xf32>
    %swap3A_1070 = arith.constant 0 : index
    %swap3A_1071 = arith.constant 1536 : index
    %swap3A_1072 = vector.load %arg8[%swap3A_1070, %swap3A_1071] : memref<512x2048xf32, #tpu.memory_space<vmem>>, vector<256x256xf32>
    tpu.vector_store %arg8[%swap3A_1070, %swap3A_1071], %dot_general3A_1038 {strides = array<i32>} : memref<512x2048xf32, #tpu.memory_space<vmem>>, vector<256x256xf32>,
    %swap3A_1073 = arith.constant 256 : index
    %swap3A_1074 = arith.constant 1536 : index
    %swap3A_1075 = vector.load %arg8[%swap3A_1073, %swap3A_1074] : memref<512x2048xf32, #tpu.memory_space<vmem>>, vector<256x256xf32>
    tpu.vector_store %arg8[%swap3A_1073, %swap3A_1074], %dot_general3A_1069 {strides = array<i32>} : memref<512x2048xf32, #tpu.memory_space<vmem>>, vector<256x256xf32>,
    %dot_general3A_1076 = arith.constant dense<0.000000e+00> : vector<256x768xf32>
    %dot_general3A_1077 = tpu.matmul %dot_general3A_1038, %get3A_4, %dot_general3A_1076 {dimension_numbers = #tpu.dot_dimension_numbers<[1], [1], [0], [0], [0, 0, 1, 0], [], []>, transpose_lhs_hint = false} : vector<256x256xf32>, vector<768x256xf32>, vector<256x768xf32> -> vector<256x768xf32>
    %add3A_1078 = vector.broadcast %get3A_10 : vector<1x768xf32> to vector<256x768xf32>
    %add3A_1079 = arith.addf %dot_general3A_1077, %add3A_1078 : vector<256x768xf32>
    %dot_general3A_1080 = arith.constant dense<0.000000e+00> : vector<256x768xf32>
    %dot_general3A_1081 = tpu.matmul %add3A_970, %get3A_7, %dot_general3A_1080 {dimension_numbers = #tpu.dot_dimension_numbers<[1], [1], [0], [0], [0, 0, 1, 0], [], []>, transpose_lhs_hint = false} : vector<256x256xf32>, vector<768x256xf32>, vector<256x768xf32> -> vector<256x768xf32>
    %add3A_1082 = vector.broadcast %get3A_13 : vector<1x768xf32> to vector<256x768xf32>
    %add3A_1083 = arith.addf %dot_general3A_1081, %add3A_1082 : vector<256x768xf32>
    %slice3A_1084 = vector.extract_strided_slice %add3A_1079 {offsets = [0, 0], sizes = [256, 256], strides = [1, 1]} : vector<256x768xf32> to vector<256x256xf32>
    %slice3A_1085 = vector.extract_strided_slice %add3A_1083 {offsets = [0, 0], sizes = [256, 256], strides = [1, 1]} : vector<256x768xf32> to vector<256x256xf32>
    %add3A_1086 = arith.addf %slice3A_1084, %slice3A_1085 : vector<256x256xf32>
    %logistic3A_1087 = arith.negf %add3A_1086 : vector<256x256xf32>
    %logistic3A_1088 = math.exp %logistic3A_1087 : vector<256x256xf32>
    %logistic3A_1089 = arith.constant 1.000000e+00 : f32
    %logistic3A_1090 = vector.broadcast %logistic3A_1089 : f32 to vector<256x256xf32>
    %logistic3A_1091 = arith.addf %logistic3A_1090, %logistic3A_1088 : vector<256x256xf32>
    %logistic3A_1092 = arith.divf %logistic3A_1090, %logistic3A_1091 : vector<256x256xf32>
    %slice3A_1093 = vector.extract_strided_slice %add3A_1079 {offsets = [0, 256], sizes = [256, 256], strides = [1, 1]} : vector<256x768xf32> to vector<256x256xf32>
    %slice3A_1094 = vector.extract_strided_slice %add3A_1083 {offsets = [0, 256], sizes = [256, 256], strides = [1, 1]} : vector<256x768xf32> to vector<256x256xf32>
    %add3A_1095 = arith.addf %slice3A_1093, %slice3A_1094 : vector<256x256xf32>
    %logistic3A_1096 = arith.negf %add3A_1095 : vector<256x256xf32>
    %logistic3A_1097 = math.exp %logistic3A_1096 : vector<256x256xf32>
    %logistic3A_1098 = arith.constant 1.000000e+00 : f32
    %logistic3A_1099 = vector.broadcast %logistic3A_1098 : f32 to vector<256x256xf32>
    %logistic3A_1100 = arith.addf %logistic3A_1099, %logistic3A_1097 : vector<256x256xf32>
    %logistic3A_1101 = arith.divf %logistic3A_1099, %logistic3A_1100 : vector<256x256xf32>
    %slice3A_1102 = vector.extract_strided_slice %add3A_1079 {offsets = [0, 512], sizes = [256, 256], strides = [1, 1]} : vector<256x768xf32> to vector<256x256xf32>
    %slice3A_1103 = vector.extract_strided_slice %add3A_1083 {offsets = [0, 512], sizes = [256, 256], strides = [1, 1]} : vector<256x768xf32> to vector<256x256xf32>
    %mul3A_1104 = arith.mulf %logistic3A_1092, %slice3A_1103 : vector<256x256xf32>
    %add3A_1105 = arith.addf %slice3A_1102, %mul3A_1104 : vector<256x256xf32>
    %tanh3A_1106 = math.tanh %add3A_1105 : vector<256x256xf32>
    %sub3A_1107 = arith.constant 1.000000e+00 : f32
    %sub3A_1108 = vector.broadcast %sub3A_1107 : f32 to vector<256x256xf32>
    %sub3A_1109 = arith.subf %sub3A_1108, %logistic3A_1101 : vector<256x256xf32>
    %mul3A_1110 = arith.mulf %sub3A_1109, %tanh3A_1106 : vector<256x256xf32>
    %mul3A_1111 = arith.mulf %logistic3A_1101, %add3A_970 : vector<256x256xf32>
    %add3A_1112 = arith.addf %mul3A_1110, %mul3A_1111 : vector<256x256xf32>
    %dot_general3A_1113 = arith.constant dense<0.000000e+00> : vector<256x768xf32>
    %dot_general3A_1114 = tpu.matmul %dot_general3A_1069, %get3A_4, %dot_general3A_1113 {dimension_numbers = #tpu.dot_dimension_numbers<[1], [1], [0], [0], [0, 0, 1, 0], [], []>, transpose_lhs_hint = false} : vector<256x256xf32>, vector<768x256xf32>, vector<256x768xf32> -> vector<256x768xf32>
    %add3A_1115 = vector.broadcast %get3A_10 : vector<1x768xf32> to vector<256x768xf32>
    %add3A_1116 = arith.addf %dot_general3A_1114, %add3A_1115 : vector<256x768xf32>
    %dot_general3A_1117 = arith.constant dense<0.000000e+00> : vector<256x768xf32>
    %dot_general3A_1118 = tpu.matmul %add3A_1007, %get3A_7, %dot_general3A_1117 {dimension_numbers = #tpu.dot_dimension_numbers<[1], [1], [0], [0], [0, 0, 1, 0], [], []>, transpose_lhs_hint = false} : vector<256x256xf32>, vector<768x256xf32>, vector<256x768xf32> -> vector<256x768xf32>
    %add3A_1119 = vector.broadcast %get3A_13 : vector<1x768xf32> to vector<256x768xf32>
    %add3A_1120 = arith.addf %dot_general3A_1118, %add3A_1119 : vector<256x768xf32>
    %slice3A_1121 = vector.extract_strided_slice %add3A_1116 {offsets = [0, 0], sizes = [256, 256], strides = [1, 1]} : vector<256x768xf32> to vector<256x256xf32>
    %slice3A_1122 = vector.extract_strided_slice %add3A_1120 {offsets = [0, 0], sizes = [256, 256], strides = [1, 1]} : vector<256x768xf32> to vector<256x256xf32>
    %add3A_1123 = arith.addf %slice3A_1121, %slice3A_1122 : vector<256x256xf32>
    %logistic3A_1124 = arith.negf %add3A_1123 : vector<256x256xf32>
    %logistic3A_1125 = math.exp %logistic3A_1124 : vector<256x256xf32>
    %logistic3A_1126 = arith.constant 1.000000e+00 : f32
    %logistic3A_1127 = vector.broadcast %logistic3A_1126 : f32 to vector<256x256xf32>
    %logistic3A_1128 = arith.addf %logistic3A_1127, %logistic3A_1125 : vector<256x256xf32>
    %logistic3A_1129 = arith.divf %logistic3A_1127, %logistic3A_1128 : vector<256x256xf32>
    %slice3A_1130 = vector.extract_strided_slice %add3A_1116 {offsets = [0, 256], sizes = [256, 256], strides = [1, 1]} : vector<256x768xf32> to vector<256x256xf32>
    %slice3A_1131 = vector.extract_strided_slice %add3A_1120 {offsets = [0, 256], sizes = [256, 256], strides = [1, 1]} : vector<256x768xf32> to vector<256x256xf32>
    %add3A_1132 = arith.addf %slice3A_1130, %slice3A_1131 : vector<256x256xf32>
    %logistic3A_1133 = arith.negf %add3A_1132 : vector<256x256xf32>
    %logistic3A_1134 = math.exp %logistic3A_1133 : vector<256x256xf32>
    %logistic3A_1135 = arith.constant 1.000000e+00 : f32
    %logistic3A_1136 = vector.broadcast %logistic3A_1135 : f32 to vector<256x256xf32>
    %logistic3A_1137 = arith.addf %logistic3A_1136, %logistic3A_1134 : vector<256x256xf32>
    %logistic3A_1138 = arith.divf %logistic3A_1136, %logistic3A_1137 : vector<256x256xf32>
    %slice3A_1139 = vector.extract_strided_slice %add3A_1116 {offsets = [0, 512], sizes = [256, 256], strides = [1, 1]} : vector<256x768xf32> to vector<256x256xf32>
    %slice3A_1140 = vector.extract_strided_slice %add3A_1120 {offsets = [0, 512], sizes = [256, 256], strides = [1, 1]} : vector<256x768xf32> to vector<256x256xf32>
    %mul3A_1141 = arith.mulf %logistic3A_1129, %slice3A_1140 : vector<256x256xf32>
    %add3A_1142 = arith.addf %slice3A_1139, %mul3A_1141 : vector<256x256xf32>
    %tanh3A_1143 = math.tanh %add3A_1142 : vector<256x256xf32>
    %sub3A_1144 = arith.constant 1.000000e+00 : f32
    %sub3A_1145 = vector.broadcast %sub3A_1144 : f32 to vector<256x256xf32>
    %sub3A_1146 = arith.subf %sub3A_1145, %logistic3A_1138 : vector<256x256xf32>
    %mul3A_1147 = arith.mulf %sub3A_1146, %tanh3A_1143 : vector<256x256xf32>
    %mul3A_1148 = arith.mulf %logistic3A_1138, %add3A_1007 : vector<256x256xf32>
    %add3A_1149 = arith.addf %mul3A_1147, %mul3A_1148 : vector<256x256xf32>
    %mul3A_1150 = arith.mulf %add3A_1112, %add3A_1112 : vector<256x256xf32>
    %reduce_sum3A_1151 = arith.constant dense<0.000000e+00> : vector<256xf32>
    %reduce_sum3A_1152 = vector.multi_reduction <add>, %mul3A_1150, %reduce_sum3A_1151 [1] : vector<256x256xf32> to vector<256xf32>
    %broadcast_in_dim3A_1153 = vector.shape_cast %reduce_sum3A_1152 : vector<256xf32> to vector<256x1xf32>
    %dot_general3A_1154 = arith.constant dense<0.000000e+00> : vector<256x1024xf32>
    %dot_general3A_1155 = tpu.matmul %add3A_1112, %mul3A_17, %dot_general3A_1154 {dimension_numbers = #tpu.dot_dimension_numbers<[1], [1], [0], [0], [0, 0, 1, 0], [], []>, transpose_lhs_hint = false} : vector<256x256xf32>, vector<1024x256xf32>, vector<256x1024xf32> -> vector<256x1024xf32>
    %add3A_1156 = vector.broadcast %broadcast_in_dim3A_1153 : vector<256x1xf32> to vector<256x1024xf32>
    %add3A_1157 = arith.addf %add3A_1156, %dot_general3A_1155 : vector<256x1024xf32>
    %add3A_1158 = vector.broadcast %reshape3A : vector<1x1024xf32> to vector<256x1024xf32>
    %add3A_1159 = arith.addf %add3A_1157, %add3A_1158 : vector<256x1024xf32>
    %max3A_1160 = arith.constant 9.99999996E-13 : f32
    %max3A_1161 = vector.broadcast %max3A_1160 : f32 to vector<256x1024xf32>
    %max3A_1162 = arith.maximumf %add3A_1159, %max3A_1161 : vector<256x1024xf32>
    %sqrt3A_1163 = math.sqrt %max3A_1162 : vector<256x1024xf32>
    %reduce_min3A_1164 = arith.constant dense<0x7F800000> : vector<256xf32>
    %reduce_min3A_1165 = vector.multi_reduction <minimumf>, %sqrt3A_1163, %reduce_min3A_1164 [1] : vector<256x1024xf32> to vector<256xf32>
    %broadcast_in_dim3A_1166 = vector.shape_cast %reduce_min3A_1165 : vector<256xf32> to vector<256x1xf32>
    %eq3A_1167 = vector.broadcast %broadcast_in_dim3A_1166 : vector<256x1xf32> to vector<256x1024xf32>
    %eq3A_1168 = arith.cmpf oeq, %sqrt3A_1163, %eq3A_1167 : vector<256x1024xf32>
    %jit3A_1169 = arith.constant 1024 : i32
    %broadcast_in_dim3A_1170 = vector.broadcast %jit3A_1169 : i32 to vector<256x1024xi32>
    %select_n3A_1171 = arith.select %eq3A_1168, %iota3A, %broadcast_in_dim3A_1170 : vector<256x1024xi1>, vector<256x1024xi32>
    %reduce_min3A_1172 = arith.constant dense<2147483647> : vector<256xi32>
    %reduce_min3A_1173 = vector.multi_reduction <minsi>, %select_n3A_1171, %reduce_min3A_1172 [1] : vector<256x1024xi32> to vector<256xi32>
    %broadcast_in_dim3A_1174 = vector.shape_cast %reduce_min3A_1173 : vector<256xi32> to vector<256x1xi32>
    %eq3A_1175 = vector.broadcast %broadcast_in_dim3A_1174 : vector<256x1xi32> to vector<256x1024xi32>
    %eq3A_1176 = arith.cmpi eq, %iota3A, %eq3A_1175 : vector<256x1024xi32>
    %convert_element_type3A_1177 = arith.extui %eq3A_1176 : vector<256x1024xi1> to vector<256x1024xi32>
    %convert_element_type3A_1178 = arith.sitofp %convert_element_type3A_1177 : vector<256x1024xi32> to vector<256x1024xf32>
    %dot_general3A_1179 = arith.constant dense<0.000000e+00> : vector<256x256xf32>
    %dot_general3A_1180 = tpu.matmul %convert_element_type3A_1178, %get3A_1, %dot_general3A_1179 {dimension_numbers = #tpu.dot_dimension_numbers<[1], [0], [0], [1], [0, 0, 1, 1], [], []>, transpose_lhs_hint = false} : vector<256x1024xf32>, vector<1024x256xf32>, vector<256x256xf32> -> vector<256x256xf32>
    %mul3A_1181 = arith.mulf %add3A_1149, %add3A_1149 : vector<256x256xf32>
    %reduce_sum3A_1182 = arith.constant dense<0.000000e+00> : vector<256xf32>
    %reduce_sum3A_1183 = vector.multi_reduction <add>, %mul3A_1181, %reduce_sum3A_1182 [1] : vector<256x256xf32> to vector<256xf32>
    %broadcast_in_dim3A_1184 = vector.shape_cast %reduce_sum3A_1183 : vector<256xf32> to vector<256x1xf32>
    %dot_general3A_1185 = arith.constant dense<0.000000e+00> : vector<256x1024xf32>
    %dot_general3A_1186 = tpu.matmul %add3A_1149, %mul3A_17, %dot_general3A_1185 {dimension_numbers = #tpu.dot_dimension_numbers<[1], [1], [0], [0], [0, 0, 1, 0], [], []>, transpose_lhs_hint = false} : vector<256x256xf32>, vector<1024x256xf32>, vector<256x1024xf32> -> vector<256x1024xf32>
    %add3A_1187 = vector.broadcast %broadcast_in_dim3A_1184 : vector<256x1xf32> to vector<256x1024xf32>
    %add3A_1188 = arith.addf %add3A_1187, %dot_general3A_1186 : vector<256x1024xf32>
    %add3A_1189 = vector.broadcast %reshape3A : vector<1x1024xf32> to vector<256x1024xf32>
    %add3A_1190 = arith.addf %add3A_1188, %add3A_1189 : vector<256x1024xf32>
    %max3A_1191 = arith.constant 9.99999996E-13 : f32
    %max3A_1192 = vector.broadcast %max3A_1191 : f32 to vector<256x1024xf32>
    %max3A_1193 = arith.maximumf %add3A_1190, %max3A_1192 : vector<256x1024xf32>
    %sqrt3A_1194 = math.sqrt %max3A_1193 : vector<256x1024xf32>
    %reduce_min3A_1195 = arith.constant dense<0x7F800000> : vector<256xf32>
    %reduce_min3A_1196 = vector.multi_reduction <minimumf>, %sqrt3A_1194, %reduce_min3A_1195 [1] : vector<256x1024xf32> to vector<256xf32>
    %broadcast_in_dim3A_1197 = vector.shape_cast %reduce_min3A_1196 : vector<256xf32> to vector<256x1xf32>
    %eq3A_1198 = vector.broadcast %broadcast_in_dim3A_1197 : vector<256x1xf32> to vector<256x1024xf32>
    %eq3A_1199 = arith.cmpf oeq, %sqrt3A_1194, %eq3A_1198 : vector<256x1024xf32>
    %jit3A_1200 = arith.constant 1024 : i32
    %broadcast_in_dim3A_1201 = vector.broadcast %jit3A_1200 : i32 to vector<256x1024xi32>
    %select_n3A_1202 = arith.select %eq3A_1199, %iota3A, %broadcast_in_dim3A_1201 : vector<256x1024xi1>, vector<256x1024xi32>
    %reduce_min3A_1203 = arith.constant dense<2147483647> : vector<256xi32>
    %reduce_min3A_1204 = vector.multi_reduction <minsi>, %select_n3A_1202, %reduce_min3A_1203 [1] : vector<256x1024xi32> to vector<256xi32>
    %broadcast_in_dim3A_1205 = vector.shape_cast %reduce_min3A_1204 : vector<256xi32> to vector<256x1xi32>
    %eq3A_1206 = vector.broadcast %broadcast_in_dim3A_1205 : vector<256x1xi32> to vector<256x1024xi32>
    %eq3A_1207 = arith.cmpi eq, %iota3A, %eq3A_1206 : vector<256x1024xi32>
    %convert_element_type3A_1208 = arith.extui %eq3A_1207 : vector<256x1024xi1> to vector<256x1024xi32>
    %convert_element_type3A_1209 = arith.sitofp %convert_element_type3A_1208 : vector<256x1024xi32> to vector<256x1024xf32>
    %dot_general3A_1210 = arith.constant dense<0.000000e+00> : vector<256x256xf32>
    %dot_general3A_1211 = tpu.matmul %convert_element_type3A_1209, %get3A_1, %dot_general3A_1210 {dimension_numbers = #tpu.dot_dimension_numbers<[1], [0], [0], [1], [0, 0, 1, 1], [], []>, transpose_lhs_hint = false} : vector<256x1024xf32>, vector<1024x256xf32>, vector<256x256xf32> -> vector<256x256xf32>
    %swap3A_1212 = arith.constant 0 : index
    %swap3A_1213 = arith.constant 1792 : index
    %swap3A_1214 = vector.load %arg8[%swap3A_1212, %swap3A_1213] : memref<512x2048xf32, #tpu.memory_space<vmem>>, vector<256x256xf32>
    tpu.vector_store %arg8[%swap3A_1212, %swap3A_1213], %dot_general3A_1180 {strides = array<i32>} : memref<512x2048xf32, #tpu.memory_space<vmem>>, vector<256x256xf32>,
    %swap3A_1215 = arith.constant 256 : index
    %swap3A_1216 = arith.constant 1792 : index
    %swap3A_1217 = vector.load %arg8[%swap3A_1215, %swap3A_1216] : memref<512x2048xf32, #tpu.memory_space<vmem>>, vector<256x256xf32>
    tpu.vector_store %arg8[%swap3A_1215, %swap3A_1216], %dot_general3A_1211 {strides = array<i32>} : memref<512x2048xf32, #tpu.memory_space<vmem>>, vector<256x256xf32>,
    return
  }
  func.func @transform_0(%arg0: i32) -> (i32, i32) {
    %c0_i32 = arith.constant 0 : i32
    %c0_i32_0 = arith.constant 0 : i32
    return %arg0, %c0_i32 : i32, i32
  }
  func.func @transform_1(%arg0: i32) -> (i32, i32) {
    %c0_i32 = arith.constant 0 : i32
    %c0_i32_0 = arith.constant 0 : i32
    %c0_i32_1 = arith.constant 0 : i32
    return %c0_i32, %c0_i32_0 : i32, i32
  }
  func.func @transform_2(%arg0: i32) -> (i32, i32) {
    %c0_i32 = arith.constant 0 : i32
    %c0_i32_0 = arith.constant 0 : i32
    %c0_i32_1 = arith.constant 0 : i32
    return %c0_i32, %c0_i32_0 : i32, i32
  }
  func.func @transform_3(%arg0: i32) -> (i32, i32) {
    %c0_i32 = arith.constant 0 : i32
    %c0_i32_0 = arith.constant 0 : i32
    %c0_i32_1 = arith.constant 0 : i32
    return %c0_i32, %c0_i32_0 : i32, i32
  }
  func.func @transform_4(%arg0: i32) -> (i32, i32) {
    %c0_i32 = arith.constant 0 : i32
    %c0_i32_0 = arith.constant 0 : i32
    %c0_i32_1 = arith.constant 0 : i32
    return %c0_i32, %c0_i32_0 : i32, i32
  }
  func.func @transform_5(%arg0: i32) -> (i32, i32) {
    %c0_i32 = arith.constant 0 : i32
    %c0_i32_0 = arith.constant 0 : i32
    %c0_i32_1 = arith.constant 0 : i32
    return %c0_i32, %c0_i32_0 : i32, i32
  }
  func.func @transform_6(%arg0: i32) -> (i32, i32) {
    %c0_i32 = arith.constant 0 : i32
    %c0_i32_0 = arith.constant 0 : i32
    %c0_i32_1 = arith.constant 0 : i32
    return %c0_i32, %c0_i32_0 : i32, i32
  }
  func.func @transform_7(%arg0: i32) -> (i32, i32) {
    %c0_i32 = arith.constant 0 : i32
    %c0_i32_0 = arith.constant 0 : i32
    return %arg0, %c0_i32 : i32, i32
  }
}

</mosaic_0001>

<sc_bundles>
// kernel: sparse-core-data-format-call.cloned.1.call-start
scs
called_computation_lowered:
.L_overlay_start_0:
0x0: {  	s2 =	sld [smem:$0x3FD9]  }
0x1: {  	s3 =	sld [smem:$0x3FFE];
	_ =	sdelay $0x1  }
0x2: {  	s1 =	srdreg.scid  }
0x3: {  	s0 =	sand.u32 $0x1, s1  }
0x4: {  	s15 =	sshll.u32 s0, $0xA;
	s2 =	sadd.s32 s3, s2  }
0x5: {  	s2 =	sadd.s32 s2, s15  }
0x6: {  	[smem:$0x3FC1] =	sst s2  }
0x7: {  	_ = 	snop  }
0x8: {  	s2 =	sld [smem:$0x3FD0];
	_ =	sdelay $0x2  }
0x9: {  	s16 =	simm.s32 $0xA;
	s4 =	simm.s32 $0x10  }
0xa: {  	[smem:s4], [sflag:s16] =	dma.local [hbm:s2], $0x1  }
0xb: {  	_ =	swait.eq [sflag:s16], $0x1  }
0xc: {  	[sflag:s16] =	ssyncset.done $0x0  }
0xd: {  	[sflag:s16] =	ssyncadd.s32 $0xFFFFFFFF  }
0xe: {  	s17 =	sld [smem:$0x10];
	(tm) =	ssettm $0x1  }
0xf: {  	s18 =	sld [smem:$0x3FFB];
	_ =	sdelay $0x3  }
0x10: {  	_ =	strace s18  }
0x11: {  	s3 =	sld [smem:$0x3FFC];
	_ =	sdelay $0x3  }
0x12: {  	_ =	strace s3  }
0x13: {  	s3 =	sld [smem:$0x3FFD];
	_ =	sdelay $0x3  }
0x14: {  	_ =	strace s3  }
0x15: {  	_ =	strace $0x8FFFFFFF  }
0x16: {  	s19 =	sld [smem:$0x3FDB];
	_ =	sdelay $0x1  }
0x17: {  	s20 =	simm.s32 $_scs_section_size  }
0x18: {  	s5 =	simm.s32 $_size__tile_overlayer_lowered;
	s6 =	simm.s32 $_tile_overlayer_lowered  }
0x19: {  	s23 =	simm.s32 $0x1BFF;
	s22 =	sshll.u32 s6, $0x1;
	s3 =	sadd.s32 s20, s19  }
0x1a: {  	s7 =	simm.s32 $0x0;
	s21 =	sshll.u32 s5, $0x1;
	s5 =	sadd.s32 s22, s3  }
0x1b: {  	[timem:s7], [sflag:s23] =	dma.local [hbm:s5], s21  }
0x1c: {  	_ =	swait.ge [sflag:s23], s21  }
0x1d: {  	s4 =	ssub.s32 $0x0, s21;
	[sflag:s23] =	ssyncset.done $0x0  }
0x1e: {  	[sflag:s23] =	ssyncadd.s32 s4;
	_ =	sdelay $0x1  }
0x1f: {  	s24 =	simm.s32 $0x1B8B  }
0x20: {  	_ =	swait.ge [sflag:s24], $0x1  }
0x21: {  	[sflag:s24] =	ssyncset.done $0x0  }
0x22: {  	s26 =	simm.s32 $0x1B8E;
	s25 =	sld [smem:$0x3FFE];
	[sflag:s24] =	ssyncadd.s32 $0xFFFFFFFF  }
0x23: {  	s27 =	simm.s32 $execute0_lowered;
	[smem:$0x3FD2] =	sst s26  }
0x24: {  	s5 =	sshll.u32 s27, $0x1;
	_ =	strace $0x80000046;
	[dreg:$0x1] =	wrdreg $0xFFFFFFFF  }
0x25: {  	s28 =	simm.s32 $_size_execute0_lowered;
	s3 =	sadd.s32 s3, s5;
	[dreg:$0x0] =	wrdreg $0x0  }
0x26: {  	s5 =	sshll.u32 s28, $0x1;
	[dreg:$0x2] =	wrdreg s3  }
0x27: {  	[dreg:$0x3] =	wrdreg s5  }
0x28: {  	[dreg:$0x4] =	wrdreg $0xC0  }
0x29: {  	_ =	task [dreg:s7], $0x5FFFF  }
0x2a: {  	[dreg:$0x1] =	wrdreg $0xFFFFFFFF  }
0x2b: {  	[dreg:$0x0] =	wrdreg $0x60  }
0x2c: {  	[dreg:$0x2] =	wrdreg s25  }
0x2d: {  	[dreg:$0x3] =	wrdreg s17  }
0x2e: {  	[dreg:$0x4] =	wrdreg $0x9  }
0x2f: {  	_ =	task.clear_ibuf [dreg:s7], $0x5FFFF;
	_ =	strace $0x90000046  }
0x30: {  	s29 =	simm.s32 $0x9;
	_ =	strace $0x80000048  }
0x31: {  	_ =	swait.ge [sflag:s29], $0x1  }
0x32: {  	[sflag:s29] =	ssyncadd.s32 $0xFFFFFFFF  }
0x33: {  	_ =	strace $0x90000048  }
0x34: {  	_ =	sfence  }
0x35: {  	s30 =	sld [smem:$0x0];
	_ =	sdelay $0x2  }
0x36: {  	s31 =	sshll.u32 s1, $0xD;
	s1 =	sshrl.u32 s1, $0x2  }
0x37: {  	s3 =	sand.u32 $0x4000, s31;
	s1 =	sadd.s32 s1, s30  }
0x38: {  	s0 =	sor.u32 s3, s0;
	s1 =	sshll.u32 s1, $0x11  }
0x39: {  	s0 =	sor.u32 s1, s0  }
0x3a: {  	s0 =	sadd.s32 $0x8F2B, s0  }
0x3b: {  	[sflag:s0] =	ssyncadd.remote.s32 $0x1  }
0x3c: {  	_ =	sfence.sel $0xFFFF  }
0x3d: {  	[dreg:$0x0] =	wrdreg $0xFFFFFFFF;
	(pc) =	sbr.abs _section_cstart, $3  }
0x3e: {  	[dreg:$0x1] =	wrdreg $0xFFFFFFFF  }
0x3f: {  	_ =	task.clear_ibuf [dreg:s7], $0x2FFFF;
	_ =	strace $0x9FFFFFFF  }
0x40: {  	(tm) =	ssettm $0x7FFFFFFF  }
0x41: {  	_ =	shalt  }
tec
execute0_lowered:
.L_overlay_start_1:
0x0: {  	(tag) =	ssettag $0x1  }
0x1: {  	s1 =	rddreg [dreg:$0x0]  }
0x2: {  	s2 =	rddreg [dreg:$0x1]  }
0x3: {  	s0 =	rddreg [dreg:$0x2]  }
0x4: {  	_ =	strace $0x80000047;
	s4 =	srdreg.scid;
	s6 =	simm.s32 $0x2  }
.Ltmp0:
0x5: {  	p0 =	por $0x0, $0x0;
	s9 =	simm.s32 $0x0;
	(pc) =	sbr.rel .LBB1_1-.Ltmp0, $4  }
0x6: {  	s7 =	simm.s32 $0x0;
	s3 =	sadd.s32 $0xE00, s1;
	s5 =	sshll.u32 s4, $0x4  }
0x7: {  	s1 =	stileid.u32;
	s4 =	simm.s32 $0x1;
	s5 =	sand.u32 $0x10, s5  }
0x8: {  	s15 =	simm.s32 $0x0;
	[sflag:s4] =	ssyncpa.u1 $0x0;
	s5 =	sor.u32 s1, s5  }
0x9: {  	[sflag:s6] =	ssyncpa.u1 $0x0;
	s6 =	simm.s32 $0x0;
	s8 =	smov.u32 s5  }
.LBB1_7:
0xa: {  	s11 =	sadd.s32 $0x20, s8  }
0xb: {  	p1 =	slt.u32 s7, $0x2;
	s7 =	sadd.s32 $0x1, s7;
	p2 =	sgt.s32 s11, $0x3FF  }
0xc: {  	s11 =	smov.u32 @p2 s5;
	p2 =	sne.s32 s7, $0x22  }
.Ltmp1:
0xd: {  	_ = 	snop;
	(pc) =	sbr.rel @!p2 .LBB1_8-.Ltmp1, $4  }
0xe: {  	s10 =	simm.s32 @!p1 $0x2  }
0xf: {  	_ =	swait.ge @!p1 [sflag:s10], $0x4000  }
0x10: {  	s9 =	smov.u32 s8;
	[sflag:s10] =	ssyncset.done @!p1 $0x0  }
0x11: {  	p0 =	por !p0, !p0;
	s8 =	smov.u32 s11;
	[sflag:s10] =	ssyncadd.s32 @!p1 $0xFFFFC000  }
.LBB1_1:
0x12: {  	p1 =	sgt.u32 s7, $0x1F  }
0x13: {  	s10 =	sxor.u32 @!p1 $0xFFFFFFFF, s7  }
0x14: {  	s11 =	sshll.u32 @!p1 s8, $0xB;
	s10 =	sshll.u32 @!p1 s10, $0xE  }
0x15: {  	s12 =	simm.s32 @!p1 $0x0;
	s11 =	sadd.s32 @!p1 s3, s11;
	s10 =	sand.u32 @!p1 $0x4000, s10  }
0x16: {  	[tilespmem:s10], [sflag:$0x1] =	stream.linear.gather @!p1 [hbm4b:s11+s12], $0x4000, $0x38;
	[tilespmem:$0x10000] =	vst v63  }
0x17: {  	p1 =	seq.s32 s7, $0x0  }
0x18: {  	p2 =	seq.s32 @!p1 s7, $0x21  }
0x19: {  	p1 =	por p1, p2  }
.Ltmp2:
0x1a: {  	_ = 	snop;
	(pc) =	sbr.rel @p1 .LBB1_7-.Ltmp2, $1  }
0x1b: {  	_ =	sdelay $0x3  }
0x1c: {  	s10 =	simm.s32 $0x1  }
0x1d: {  	_ =	swait.ge [sflag:s4], $0x4000;
	s11 =	sshll.u32 s7, $0xE;
	p1 =	por $0x0, $0x0  }
0x1e: {  	s16 =	simm.s32 $0x0;
	s17 =	simm.s32 $0x0;
	s10 =	simm.s32 @!p0 $0x0  }
0x1f: {  	[sflag:s4] =	ssyncset.done $0x0;
	s13 =	sand.u32 $0x4000, s11;
	s10 =	sshll.u32 s10, $0x10  }
0x20: {  	[sflag:s4] =	ssyncadd.s32 $0xFFFFC000;
	s11 =	sor.u32 $0x8000, s13;
	s14 =	sshrl.u32 s10, $0x2  }
0x21: {  	s10 =	sor.u32 $0x40, s14;
	s12 =	sor.u32 $0x8410, s14;
	s14 =	sadd.s32 $0x8400, s14  }
.LBB1_3:
0x22: {  	v1 =	vld [tilespmem:s10+$0xFFFFFFD0]  }
0x23: {  	v2 =	vld [tilespmem:s10+$0x430]  }
0x24: {  	s18 =	sshll.u32 s17, $0xB;
	v4 =	vld [tilespmem:s10+$0xFFFFFFE0]  }
0x25: {  	v7 =	vld [tilespmem:s10+$0xFFFFFFF0];
	v0 =	vmov s18  }
0x26: {  	v8 =	vld [tilespmem:s10+$0x0]  }
0x27: {  	s30 =	sand.u32 $0x300, s15;
	v9 =	vld [tilespmem:s10+$0x10]  }
0x28: {  	s19 =	sand.u32 $0x80, s15;
	v10 =	vld [tilespmem:s10+$0x20];
	s18 =	sadd.s32 s30, s13  }
0x29: {  	v11 =	vld [tilespmem:s10+$0x30];
	s18 =	sadd.s32 s19, s18;
	s19 =	simm.s32 $0x1;
	[tilespmem:s12+$0x60] =	vst v2  }
0x2a: {  	s31 =	sshll.u32 s16, $0x2;
	s19 =	simm.s32 @!p1 $0x0;
	[tilespmem:s12+$0xFFFFFC00] =	vst v1;
	v3 =	vld.idx.msk [tilespmem:v0+s18+$0x400 ss:$0x1], $0xffff  }
0x2b: {  	v6 =	vld [tilespmem:s10+$0x3D0];
	s19 =	sshll.u32 s19, $0x9;
	[tilespmem:s12+$0xFFFFFC10] =	vst v4;
	s18 =	sand.u32 $0xFFFFFC00, s31  }
0x2c: {  	v5 =	vld [tilespmem:s10+$0x3E0];
	[tilespmem:s12+$0xFFFFFC20] =	vst v7;
	s18 =	sor.u32 s19, s18  }
0x2d: {  	[tilespmem:s12+$0xFFFFFC30] =	vst v8;
	v4 =	vld [tilespmem:s10+$0x400];
	s18 =	sshrl.u32 s18, $0x2  }
0x2e: {  	[tilespmem:s12+$0xFFFFFC40] =	vst v9;
	v1 =	vld [tilespmem:s10+$0x410];
	s18 =	sadd.s32 s18, s14  }
0x2f: {  	[tilespmem:s18+$0x0] =	vst v3;
	v3 =	vld [tilespmem:s10+$0x3F0]  }
0x30: {  	s22 =	simm.s32 $0x80;
	s21 =	simm.s32 $0x100;
	[tilespmem:s12+$0xFFFFFC50] =	vst v10;
	v2 =	vld [tilespmem:s10+$0x420]  }
0x31: {  	s20 =	smov.u32 s12;
	s23 =	sand.u32 $0x300, s22;
	v7 =	vld [tilespmem:s10+$0xFFFFFFC0];
	[tilespmem:s12+$0xFFFFFC60] =	vst v11;
	s19 =	sadd.s32 $0x80, s10  }
.LBB1_4:
0x32: {  	p2 =	sne.s32 s21, $0x380;
	v8 =	vld [tilespmem:s19+$0xFFFFFFD0];
	s22 =	sand.u32 $0x80, s22;
	s23 =	sadd.s32 s23, s13;
	[tilespmem:s20+$0x0] =	vst v6  }
0x33: {  	s23 =	sadd.s32 s22, s23;
	v6 =	vld [tilespmem:s19+$0x430];
	[tilespmem:s20+$0x10] =	vst v5;
	s22 =	smov.u32 s21  }
0x34: {  	v5 =	vld.idx.msk [tilespmem:v0+s23+$0x400 ss:$0x1], $0xffff;
	[tilespmem:s20+$0x20] =	vst v3  }
0x35: {  	v3 =	vld [tilespmem:s19+$0xFFFFFFE0];
	[tilespmem:s20+$0x30] =	vst v4  }
0x36: {  	v4 =	vld [tilespmem:s19+$0xFFFFFFF0];
	[tilespmem:s20+$0xFFFFFBF0] =	vst v7  }
0x37: {  	v7 =	vld [tilespmem:s19+$0x0];
	[tilespmem:s20+$0x40] =	vst v1  }
0x38: {  	v1 =	vld [tilespmem:s19+$0x10];
	[tilespmem:s20+$0x50] =	vst v2;
	s20 =	sadd.s32 $0x800, s20  }
0x39: {  	s18 =	sadd.s32 $0x800, s18;
	v2 =	vld [tilespmem:s19+$0x20];
	[tilespmem:s20+$0x60] =	vst v6  }
0x3a: {  	v9 =	vld [tilespmem:s19+$0x30];
	[tilespmem:s18+$0x0] =	vst v5  }
0x3b: {  	[tilespmem:s20+$0xFFFFFC00] =	vst v8;
	v6 =	vld [tilespmem:s19+$0x3D0]  }
0x3c: {  	[tilespmem:s20+$0xFFFFFC10] =	vst v3;
	v5 =	vld [tilespmem:s19+$0x3E0]  }
.Ltmp3:
0x3d: {  	[tilespmem:s20+$0xFFFFFC20] =	vst v4;
	v3 =	vld [tilespmem:s19+$0x3F0];
	(pc) =	sbr.rel @p2 .LBB1_4-.Ltmp3, $4  }
0x3e: {  	[tilespmem:s20+$0xFFFFFC30] =	vst v7;
	v4 =	vld [tilespmem:s19+$0x400]  }
0x3f: {  	[tilespmem:s20+$0xFFFFFC40] =	vst v1;
	v1 =	vld [tilespmem:s19+$0x410]  }
0x40: {  	[tilespmem:s20+$0xFFFFFC50] =	vst v2;
	v2 =	vld [tilespmem:s19+$0x420]  }
0x41: {  	s21 =	sadd.s32 $0x80, s21;
	s23 =	sand.u32 $0x300, s22;
	v7 =	vld [tilespmem:s19+$0xFFFFFFC0];
	[tilespmem:s20+$0xFFFFFC60] =	vst v9;
	s19 =	sadd.s32 $0x80, s19  }
0x42: {  	[tilespmem:s20+$0x0] =	vst v6  }
0x43: {  	[tilespmem:s20+$0x10] =	vst v5  }
0x44: {  	v49 =	vld [tilespmem:s19+$0x430];
	[tilespmem:s20+$0x20] =	vst v3  }
0x45: {  	v50 =	vld [tilespmem:s19+$0xFFFFFFD0];
	[tilespmem:s20+$0x30] =	vst v4  }
0x46: {  	v51 =	vld [tilespmem:s19+$0xFFFFFFE0];
	[tilespmem:s20+$0x40] =	vst v1  }
0x47: {  	v52 =	vld [tilespmem:s19+$0xFFFFFFF0];
	[tilespmem:s20+$0x50] =	vst v2  }
0x48: {  	s31 =	sadd.s32 $0x800, s20;
	v53 =	vld [tilespmem:s19+$0x0];
	[tilespmem:s20+$0xFFFFFBF0] =	vst v7  }
0x49: {  	v54 =	vld [tilespmem:s19+$0x10];
	[tilespmem:s31+$0x60] =	vst v49  }
0x4a: {  	v55 =	vld [tilespmem:s19+$0x20];
	[tilespmem:s31+$0xFFFFFC00] =	vst v50  }
0x4b: {  	v56 =	vld [tilespmem:s19+$0x30];
	[tilespmem:s31+$0xFFFFFC10] =	vst v51  }
0x4c: {  	v57 =	vld [tilespmem:s19+$0x3D0];
	[tilespmem:s31+$0xFFFFFC20] =	vst v52  }
0x4d: {  	v58 =	vld [tilespmem:s19+$0x3E0];
	[tilespmem:s31+$0xFFFFFC30] =	vst v53  }
0x4e: {  	v59 =	vld [tilespmem:s19+$0x3F0];
	[tilespmem:s31+$0xFFFFFC40] =	vst v54  }
0x4f: {  	v60 =	vld [tilespmem:s19+$0x400];
	[tilespmem:s31+$0xFFFFFC50] =	vst v55  }
0x50: {  	v61 =	vld [tilespmem:s19+$0xFFFFFFC0];
	[tilespmem:s31+$0xFFFFFC60] =	vst v56  }
0x51: {  	s21 =	sand.u32 $0x80, s22;
	s30 =	sadd.s32 s23, s13;
	v62 =	vld [tilespmem:s19+$0x410];
	[tilespmem:s31+$0x0] =	vst v57  }
0x52: {  	v63 =	vld [tilespmem:s19+$0x420];
	s17 =	sadd.s32 $0x1, s17;
	s21 =	sadd.s32 s21, s30;
	[tilespmem:s31+$0x10] =	vst v58  }
0x53: {  	p2 =	sne.s32 s17, $0x8;
	v0 =	vld.idx.msk [tilespmem:v0+s21+$0x400 ss:$0x1], $0xffff;
	[tilespmem:s31+$0x20] =	vst v59  }
.Ltmp4:
0x54: {  	[tilespmem:s31+$0x30] =	vst v60;
	(pc) =	sbr.rel @p2 .LBB1_3-.Ltmp4, $4  }
0x55: {  	[tilespmem:s31+$0xFFFFFBF0] =	vst v61  }
0x56: {  	[tilespmem:s31+$0x40] =	vst v62  }
0x57: {  	s18 =	sadd.s32 $0x800, s18;
	s10 =	sadd.s32 $0x800, s10;
	[tilespmem:s31+$0x50] =	vst v63  }
0x58: {  	s16 =	sadd.s32 $0x80, s16;
	p1 =	por !p1, !p1;
	s12 =	sadd.s32 $0x80, s12;
	[tilespmem:s18+$0x0] =	vst v0  }
.Ltmp5:
0x59: {  	(pc) =	sbr.rel .LBB1_7-.Ltmp5, $4  }
0x5a: {  	_ = 	snop  }
0x5b: {  	s9 =	sshll.u32 s9, $0xB  }
0x5c: {  	s9 =	sadd.s32 s2, s9  }
0x5d: {  	[hbm4b:s9+s6] =	stream.linear.scatter [tilespmem:s11], [sflag:$0x2], $0x4000, $0x38;
	[tilespmem:$0x10000] =	vst v63  }
.LBB1_8:
0x5e: {  	_ =	sfence.sel $0x180000  }
0x5f: {  	s2 =	simm.s32 $0x1;
	[bflag:$0x0] =	sbarrier.arrive $0xFFFF  }
0x60: {  	s31 =	simm.s32 $0x2;
	[sflag:s2] =	ssyncpa.u1 $0x1  }
0x61: {  	[sflag:s31] =	ssyncpa.u1 $0x1  }
0x62: {  	p0 =	sne.s32 s1, $0x0;
	_ =	strace $0x90000047  }
0x63: {  	s0 =	sadd.s32 @!p0 $0x100000, s0;
	[bflag:$0x2] =	sbarrier.arrive $0xFFFF  }
0x64: {  	[sflag:s0] =	ssyncadd.tile.s32 @!p0 $0x1;
	_ =	shalt  }
.Lfunc_end1:
_tile_overlayer_lowered:
.L_overlay_start_2:
0x65: {  	(tag) =	ssettag $0x2  }
0x66: {  	s0 =	rddreg [dreg:$0x0];
	s2 =	stileid.u32  }
0x67: {  	s1 =	rddreg [dreg:$0x1];
	p0 =	sne.s32 s2, $0x0  }
0x68: {  	s3 =	rddreg [dreg:$0x2];
	[bflag:$0x3] =	sbarrier.arrive $0xFFFF;
	s2 =	simm.s32 @!p0 $0x1C01  }
0x69: {  	[timem:s3], [sflag:s2] =	dma.local @!p0 [hbm:s0], s1  }
0x6a: {  	s0 =	simm.s32 @!p0 $0x1  }
0x6b: {  	_ =	swait.ge @!p0 [sflag:s0], s1  }
0x6c: {  	s1 =	ssub.s32 @!p0 $0x0, s1;
	[sflag:s0] =	ssyncset.done @!p0 $0x0  }
0x6d: {  	[sflag:s0] =	ssyncadd.s32 @!p0 s1  }
0x6e: {  	[bflag:$0x3] =	sbarrier.arrive $0xFFFF  }
0x6f: {  	_ =	shalt  }

</sc_bundles>
